<compile_context>
chip_gen: v7x
topology: tpu7x:2x2x1
jax: 0.10.2.dev20260603
libtpu: 0.0.44.dev20260713+nightly
codegen_flags: <defaults>
</compile_context>

<pallas_src>
import functools

import jax
import jax.numpy as jnp
from jax import lax
from jax.experimental import pallas as pl
from jax.experimental.pallas import tpu as pltpu
from jax.experimental.pallas import tpu_sc as plsc

N = 320000
D = 128
S = 1024
NC = 2
NS = 16
NW = NC * NS
GP = 128
G = N // GP
KB = 2
BR = KB * GP
NBUF = 3
NGT = 80
GPAD = NGT * NW
NBLKT = NGT // KB
SEG_PER_TILE = S // NS
SEG_PER_W = S // NW
BROW = S // GP

_MESH = plsc.VectorSubcoreMesh(
    core_axis_name="c", subcore_axis_name="s", num_cores=NC, num_subcores=NS
)


@functools.partial(
    pl.kernel,
    out_type=[
        jax.ShapeDtypeStruct((NC * S, D), jnp.float32),
        jax.ShapeDtypeStruct((NW * 2, S), jnp.float32),
    ],
    mesh=_MESH,
    compiler_params=pltpu.CompilerParams(needs_layout_passes=False),
    scratch_types=[
        pltpu.VMEM((NBLKT, KB, GP), jnp.int32),
        pltpu.VMEM((NGT * GP,), jnp.int32),
        pltpu.VMEM((NBUF, BR, D), jnp.float32),
        pltpu.VMEM((S,), jnp.float32),
        pltpu.VMEM((S,), jnp.float32),
        pltpu.VMEM((16,), jnp.int32),
        pltpu.VMEM_SHARED((S, D), jnp.float32),
        pltpu.SemaphoreType.DMA((NBUF,)),
        pltpu.SemaphoreType.DMA((NBUF,)),
    ],
)
def _phase1(nf_hbm, bpad_hbm, b3d_hbm, zrow_hbm,
            psum_hbm, pbound_hbm,
            ids_v, idsf_v, rows_v, p_v, e_v, pad_v, acc_sh, sems, ssems):
    cid = lax.axis_index("c")
    sid = lax.axis_index("s")
    gid = sid * NC + cid
    ng = jnp.minimum(NGT, G - gid * NGT)
    nblk = (ng + KB - 1) // KB
    r0 = gid * NGT * GP

    pltpu.sync_copy(b3d_hbm.at[pl.ds(gid * NBLKT, NBLKT)], ids_v)
    pltpu.sync_copy(bpad_hbm.at[pl.ds(r0, NGT * GP)], idsf_v)

    @pl.when(gid == 0)
    def _():
        pad_v[...] = jnp.full((16,), -1, jnp.int32)

    @pl.when(gid > 0)
    def _():
        pltpu.sync_copy(bpad_hbm.at[pl.ds(r0 - 16, 16)], pad_v)

    zero16 = jnp.zeros((16,), jnp.float32)

    def zpe(k, c):
        p_v[pl.ds(k * 16, 16)] = zero16
        e_v[pl.ds(k * 16, 16)] = zero16
        return c

    lax.fori_loop(0, S // 16, zpe, 0)
    zbase = sid * SEG_PER_TILE
    pltpu.sync_copy(zrow_hbm, acc_sh.at[pl.ds(zbase, SEG_PER_TILE)])

    def issue(t, b):
        @pl.when(t < nblk)
        def _():
            pltpu.async_copy(nf_hbm.at[pl.ds(r0 + t * BR, BR)], rows_v.at[b],
                             sems.at[b])

    def wait(t, b):
        pltpu.make_async_copy(nf_hbm.at[pl.ds(r0 + t * BR, BR)],
                              rows_v.at[b], sems.at[b]).wait()

    for b in range(NBUF):
        issue(b, b)

    iota = lax.iota(jnp.int32, 16)
    shift_idx = jnp.maximum(iota - 1, 0)
    b15 = iota * 0 + 15
    lane0 = iota == 0
    prev0 = pad_v[...]
    prev = prev0.at[b15].get(mode="promise_in_bounds")

    def window(w, prev_b):
        v = idsf_v[pl.ds(w * 16, 16)]
        vsh = v.at[shift_idx].get(mode="promise_in_bounds")
        vp = jnp.where(lane0, prev_b, vsh)
        m = v != vp
        posf = (r0 + w * 16 + iota).astype(jnp.float32)
        plsc.store_scatter(p_v, [v], posf, mask=m)
        plsc.store_scatter(e_v, [vp], posf, mask=m & (vp >= 0))
        return v.at[b15].get(mode="promise_in_bounds")

    prev_last = lax.fori_loop(0, ng * (GP // 16), window, prev)

    @pl.when(gid == NW - 1)
    def _():
        endf = jnp.full((16,), float(N), jnp.float32)
        plsc.store_scatter(e_v, [prev_last], endf, mask=lane0)

    plsc.subcore_barrier()

    def scatter(t, b):
        @pl.when(t < nblk)
        def _():
            for j in range(KB):
                pltpu.sync_copy(rows_v.at[b, pl.ds(j * GP, GP)],
                                acc_sh.at[ids_v.at[t, j]], add=True)

    def sstep(ss, c):
        for b in range(NBUF):
            t = ss * NBUF + b
            @pl.when(t < nblk)
            def _():
                wait(t, b)
            scatter(t, b)
            issue(t + NBUF, b)
        return c

    lax.fori_loop(0, NBLKT // NBUF + 1, sstep, 0)

    plsc.subcore_barrier()

    pltpu.sync_copy(acc_sh.at[pl.ds(zbase, SEG_PER_TILE)],
                    psum_hbm.at[pl.ds(cid * S + zbase, SEG_PER_TILE)])
    pltpu.sync_copy(p_v, pbound_hbm.at[gid])
    pltpu.sync_copy(e_v, pbound_hbm.at[NW + gid])


def _phase2_body(psum_ref, pbound_ref, out_ref):
    ps = psum_ref[0:S, :] + psum_ref[S:2 * S, :]
    cnt = (jnp.sum(pbound_ref[NW:, :], axis=0)
           - jnp.sum(pbound_ref[:NW, :], axis=0))
    cnt = jnp.maximum(cnt, 1.0)
    out_ref[...] = ps / cnt[:, None]


_phase2 = pl.pallas_call(
    _phase2_body, out_shape=jax.ShapeDtypeStruct((S, D), jnp.float32))


def kernel(node_features, batch):
    bpad = jnp.concatenate(
        [batch, jnp.full((GPAD * GP - N,), -1, jnp.int32)])
    b3d = jnp.concatenate(
        [batch, jnp.zeros((GPAD * GP - N,), jnp.int32)]
    ).reshape(NW * NBLKT, KB, GP)
    zrow = jnp.zeros((SEG_PER_TILE, D), jnp.float32)
    psum, pbound = _phase1(node_features, bpad, b3d, zrow)
    return _phase2(psum, pbound)

# --- scband reference (transcript-rebuilt; emitter-appended) ---
"""Pipeline reference for scband-batch-global-pooling-17008070492574 (READ-ONLY COPY).

The authoritative reference and input builder live on the scoring server;
editing this copy changes nothing except your own understanding.
"""

import jax, jax.numpy as jnp
import numpy as np


def setup_inputs(seed: int = 0) -> dict:
    key = jax.random.key(seed)
    k1, k2 = jax.random.split(key)
    node_features = jax.random.normal(k1, (320000, 128), dtype=jnp.float32)
    batch = jnp.sort(jax.random.randint(k2, (320000,), 0, 1024, dtype=jnp.int32))
    return {"node_features": node_features, "batch": batch}


def reference(node_features, batch):
    # BatchGlobalPooling with pooling='mean'
    num_segments = 1024
    pooled_sum = jax.ops.segment_sum(node_features, batch, num_segments=num_segments)
    ones = jnp.ones((batch.shape[0],), dtype=node_features.dtype)
    segment_counts = jax.ops.segment_sum(ones, batch, num_segments=num_segments)
    segment_counts = jnp.maximum(segment_counts, 1.0)
    pooled = pooled_sum / segment_counts[:, None]
    return pooled

if __name__ == "__main__":
    import jax
    _d = setup_inputs()
    print(jax.jit(kernel)(*tuple(_d.values())))

</pallas_src>

<mosaic_0001>
#map = affine_map<(d0, d1) -> (0, 0)>
#map1 = affine_map<(d0, d1) -> (0)>
#map2 = affine_map<(d0, d1) -> (0, 0, 0)>
module attributes {stable_mosaic.version = 14 : i64} {
  func.func @_phase1(%arg0: i32, %arg1: i32, %arg2: memref<320000x128xf32, #tpu.memory_space<hbm>>, %arg3: memref<327680xi32, #tpu.memory_space<hbm>>, %arg4: memref<1280x2x128xi32, #tpu.memory_space<hbm>>, %arg5: memref<64x128xf32, #tpu.memory_space<hbm>>, %arg6: memref<2048x128xf32, #tpu.memory_space<hbm>>, %arg7: memref<64x1024xf32, #tpu.memory_space<hbm>>, %arg8: memref<40x2x128xi32, #tpu.memory_space<vmem>>, %arg9: memref<10240xi32, #tpu.memory_space<vmem>>, %arg10: memref<3x256x128xf32, #tpu.memory_space<vmem>>, %arg11: memref<1024xf32, #tpu.memory_space<vmem>>, %arg12: memref<1024xf32, #tpu.memory_space<vmem>>, %arg13: memref<16xi32, #tpu.memory_space<vmem>>, %arg14: memref<1024x128xf32, #tpu.memory_space<vmem_shared>>, %arg15: memref<3x!tpu.dma_semaphore, #tpu.memory_space<semaphore_mem>>, %arg16: memref<3x!tpu.dma_semaphore, #tpu.memory_space<semaphore_mem>>) attributes {dimension_semantics = [#tpu.dimension_semantics<core_parallel>, #tpu.dimension_semantics<subcore_parallel>], iteration_bounds = array<i64: 2, 16>, scalar_prefetch = 0 : i64, scratch_operands = 9 : i64, tpu.core_type = #tpu.core_type<sc_vector_subcore>, window_params = [{transform_indices = #map}, {transform_indices = #map1}, {transform_indices = #map2}, {transform_indices = #map}, {transform_indices = #map}, {transform_indices = #map}]} {
    %mul3A = arith.constant 2 : i32
    %mul3A_0 = arith.muli %arg1, %mul3A : i32
    %add3A = arith.addi %mul3A_0, %arg0 : i32
    %mul3A_1 = arith.constant 80 : i32
    %mul3A_2 = arith.muli %add3A, %mul3A_1 : i32
    %sub3A = arith.constant 2500 : i32
    %sub3A_3 = arith.subi %sub3A, %mul3A_2 : i32
    %min3A = arith.constant 80 : i32
    %min3A_4 = arith.minsi %min3A, %sub3A_3 : i32
    %add3A_5 = arith.constant 2 : i32
    %add3A_6 = arith.addi %min3A_4, %add3A_5 : i32
    %sub3A_7 = arith.constant 1 : i32
    %sub3A_8 = arith.subi %add3A_6, %sub3A_7 : i32
    %jit3A = arith.constant 2 : i32
    %div3A = arith.divsi %sub3A_8, %jit3A : i32
    %sign3A = arith.constant 0 : i32
    %sign3A_9 = arith.cmpi sgt, %sub3A_8, %sign3A : i32
    %sign3A_10 = arith.extui %sign3A_9 : i1 to i32
    %sign3A_11 = arith.constant 0 : i32
    %sign3A_12 = arith.cmpi slt, %sub3A_8, %sign3A_11 : i32
    %sign3A_13 = arith.extui %sign3A_12 : i1 to i32
    %sign3A_14 = arith.subi %sign3A_10, %sign3A_13 : i32
    %sign3A_15 = arith.constant 0 : i32
    %sign3A_16 = arith.cmpi sgt, %jit3A, %sign3A_15 : i32
    %sign3A_17 = arith.extui %sign3A_16 : i1 to i32
    %sign3A_18 = arith.constant 0 : i32
    %sign3A_19 = arith.cmpi slt, %jit3A, %sign3A_18 : i32
    %sign3A_20 = arith.extui %sign3A_19 : i1 to i32
    %sign3A_21 = arith.subi %sign3A_17, %sign3A_20 : i32
    %ne3A = arith.cmpi ne, %sign3A_14, %sign3A_21 : i32
    %rem3A = arith.remsi %sub3A_8, %jit3A : i32
    %ne3A_22 = arith.constant 0 : i32
    %ne3A_23 = arith.cmpi ne, %rem3A, %ne3A_22 : i32
    %and3A = arith.andi %ne3A, %ne3A_23 : i1
    %sub3A_24 = arith.constant 1 : i32
    %sub3A_25 = arith.subi %div3A, %sub3A_24 : i32
    %select_n3A = arith.select %and3A, %sub3A_25, %div3A : i32
    %mul3A_26 = arith.constant 80 : i32
    %mul3A_27 = arith.muli %add3A, %mul3A_26 : i32
    %mul3A_28 = arith.constant 128 : i32
    %mul3A_29 = arith.muli %mul3A_27, %mul3A_28 : i32
    %mul3A_30 = arith.constant 40 : i32
    %mul3A_31 = arith.muli %add3A, %mul3A_30 : i32
    "tpu.region"() ({
      %run_scoped3A = tpu.sem_alloc : memref<!tpu.dma_semaphore, #tpu.memory_space<semaphore_mem>>
      %dma_start3A = arith.constant 0 : i32
      %dma_start3A_113 = arith.constant 0 : i32
      %dma_start3A_114 = tpu.memref_slice %arg4[%mul3A_31, %dma_start3A, %dma_start3A_113] : memref<1280x2x128xi32, #tpu.memory_space<hbm>> -> memref<40x2x128xi32, #tpu.memory_space<hbm>>
      %dma_start3A_115 = arith.constant 0 : i32
      %dma_start3A_116 = arith.constant 0 : i32
      %dma_start3A_117 = tpu.memref_slice %arg4[%mul3A_31, %dma_start3A_115, %dma_start3A_116] : memref<1280x2x128xi32, #tpu.memory_space<hbm>> -> memref<40x2x128xi32, #tpu.memory_space<hbm>>
      tpu.enqueue_dma source(%dma_start3A_117 : memref<40x2x128xi32, #tpu.memory_space<hbm>>) target(%arg8 : memref<40x2x128xi32, #tpu.memory_space<vmem>>) target_semaphore(%run_scoped3A : memref<!tpu.dma_semaphore, #tpu.memory_space<semaphore_mem>>)
      %dma_wait3A = arith.constant 0 : i32
      %dma_wait3A_118 = arith.constant 0 : i32
      %dma_wait3A_119 = tpu.memref_slice %arg4[%mul3A_31, %dma_wait3A, %dma_wait3A_118] : memref<1280x2x128xi32, #tpu.memory_space<hbm>> -> memref<40x2x128xi32, #tpu.memory_space<hbm>>
      %dma_wait3A_120 = arith.constant 0 : i32
      %dma_wait3A_121 = arith.constant 0 : i32
      %dma_wait3A_122 = tpu.memref_slice %arg4[%mul3A_31, %dma_wait3A_120, %dma_wait3A_121] : memref<1280x2x128xi32, #tpu.memory_space<hbm>> -> memref<40x2x128xi32, #tpu.memory_space<hbm>>
      tpu.wait_dma2 semaphore(%run_scoped3A : memref<!tpu.dma_semaphore, #tpu.memory_space<semaphore_mem>>) src(%dma_wait3A_122 : memref<40x2x128xi32, #tpu.memory_space<hbm>>) dst(%arg8 : memref<40x2x128xi32, #tpu.memory_space<vmem>>)
      tpu.yield
    }) : () -> ()
    "tpu.region"() ({
      %run_scoped3A = tpu.sem_alloc : memref<!tpu.dma_semaphore, #tpu.memory_space<semaphore_mem>>
      %dma_start3A = tpu.memref_slice %arg3[%mul3A_29] : memref<327680xi32, #tpu.memory_space<hbm>> -> memref<10240xi32, #tpu.memory_space<hbm>>
      %dma_start3A_113 = tpu.memref_slice %arg3[%mul3A_29] : memref<327680xi32, #tpu.memory_space<hbm>> -> memref<10240xi32, #tpu.memory_space<hbm>>
      tpu.enqueue_dma source(%dma_start3A_113 : memref<10240xi32, #tpu.memory_space<hbm>>) target(%arg9 : memref<10240xi32, #tpu.memory_space<vmem>>) target_semaphore(%run_scoped3A : memref<!tpu.dma_semaphore, #tpu.memory_space<semaphore_mem>>)
      %dma_wait3A = tpu.memref_slice %arg3[%mul3A_29] : memref<327680xi32, #tpu.memory_space<hbm>> -> memref<10240xi32, #tpu.memory_space<hbm>>
      %dma_wait3A_114 = tpu.memref_slice %arg3[%mul3A_29] : memref<327680xi32, #tpu.memory_space<hbm>> -> memref<10240xi32, #tpu.memory_space<hbm>>
      tpu.wait_dma2 semaphore(%run_scoped3A : memref<!tpu.dma_semaphore, #tpu.memory_space<semaphore_mem>>) src(%dma_wait3A_114 : memref<10240xi32, #tpu.memory_space<hbm>>) dst(%arg9 : memref<10240xi32, #tpu.memory_space<vmem>>)
      tpu.yield
    }) : () -> ()
    %eq3A = arith.constant 0 : i32
    %eq3A_32 = arith.cmpi eq, %add3A, %eq3A : i32
    %convert_element_type3A = arith.extui %eq3A_32 : i1 to i32
    %cond3A = arith.constant 0 : i32
    %cond3A_33 = arith.cmpi ne, %convert_element_type3A, %cond3A : i32
    scf.if %cond3A_33 {
      %broadcast_in_dim3A_113 = arith.constant -1 : i32
      %broadcast_in_dim3A_114 = vector.broadcast %broadcast_in_dim3A_113 : i32 to vector<16xi32>
      %swap3A = arith.constant 0 : index
      %swap3A_115 = tpu.vector_load %arg13[%swap3A] {strides = array<i32>} : memref<16xi32, #tpu.memory_space<vmem>>, vector<16xi32>,
      tpu.vector_store %arg13[%swap3A], %broadcast_in_dim3A_114 {strides = array<i32>} : memref<16xi32, #tpu.memory_space<vmem>>, vector<16xi32>,
    } else {
    }
    %gt3A = arith.constant 0 : i32
    %gt3A_34 = arith.cmpi sgt, %add3A, %gt3A : i32
    %convert_element_type3A_35 = arith.extui %gt3A_34 : i1 to i32
    %cond3A_36 = arith.constant 0 : i32
    %cond3A_37 = arith.cmpi ne, %convert_element_type3A_35, %cond3A_36 : i32
    scf.if %cond3A_37 {
      %sub3A_113 = arith.constant 16 : i32
      %sub3A_114 = arith.subi %mul3A_29, %sub3A_113 : i32
      "tpu.region"() ({
        %run_scoped3A = tpu.sem_alloc : memref<!tpu.dma_semaphore, #tpu.memory_space<semaphore_mem>>
        %dma_start3A = tpu.memref_slice %arg3[%sub3A_114] : memref<327680xi32, #tpu.memory_space<hbm>> -> memref<16xi32, #tpu.memory_space<hbm>>
        %dma_start3A_115 = tpu.memref_slice %arg3[%sub3A_114] : memref<327680xi32, #tpu.memory_space<hbm>> -> memref<16xi32, #tpu.memory_space<hbm>>
        tpu.enqueue_dma source(%dma_start3A_115 : memref<16xi32, #tpu.memory_space<hbm>>) target(%arg13 : memref<16xi32, #tpu.memory_space<vmem>>) target_semaphore(%run_scoped3A : memref<!tpu.dma_semaphore, #tpu.memory_space<semaphore_mem>>)
        %dma_wait3A = tpu.memref_slice %arg3[%sub3A_114] : memref<327680xi32, #tpu.memory_space<hbm>> -> memref<16xi32, #tpu.memory_space<hbm>>
        %dma_wait3A_116 = tpu.memref_slice %arg3[%sub3A_114] : memref<327680xi32, #tpu.memory_space<hbm>> -> memref<16xi32, #tpu.memory_space<hbm>>
        tpu.wait_dma2 semaphore(%run_scoped3A : memref<!tpu.dma_semaphore, #tpu.memory_space<semaphore_mem>>) src(%dma_wait3A_116 : memref<16xi32, #tpu.memory_space<hbm>>) dst(%arg13 : memref<16xi32, #tpu.memory_space<vmem>>)
        tpu.yield
      }) : () -> ()
    } else {
    }
    %broadcast_in_dim3A = arith.constant 0.000000e+00 : f32
    %broadcast_in_dim3A_38 = vector.broadcast %broadcast_in_dim3A : f32 to vector<16xf32>
    %scan3A = arith.constant 0 : i32
    %scan3A_39 = arith.constant 0 : i32
    %scan3A_40 = arith.constant 64 : i32
    %scan3A_41 = arith.addi %scan3A_39, %scan3A_40 : i32
    %scan3A_42 = arith.constant 1 : i32
    scf.for %scan3A_113 = %scan3A_39 to %scan3A_41 step %scan3A_42  : i32 {
      %mul3A_114 = arith.constant 16 : i32
      %mul3A_115 = arith.muli %scan3A_113, %mul3A_114 : i32
      %swap3A = arith.index_cast %mul3A_115 : i32 to index
      %swap3A_116 = tpu.vector_load %arg11[%swap3A] {strides = array<i32>} : memref<1024xf32, #tpu.memory_space<vmem>>, vector<16xf32>,
      tpu.vector_store %arg11[%swap3A], %broadcast_in_dim3A_38 {strides = array<i32>} : memref<1024xf32, #tpu.memory_space<vmem>>, vector<16xf32>,
      %mul3A_117 = arith.constant 16 : i32
      %mul3A_118 = arith.muli %scan3A_113, %mul3A_117 : i32
      %swap3A_119 = arith.index_cast %mul3A_118 : i32 to index
      %swap3A_120 = tpu.vector_load %arg12[%swap3A_119] {strides = array<i32>} : memref<1024xf32, #tpu.memory_space<vmem>>, vector<16xf32>,
      tpu.vector_store %arg12[%swap3A_119], %broadcast_in_dim3A_38 {strides = array<i32>} : memref<1024xf32, #tpu.memory_space<vmem>>, vector<16xf32>,
    }
    %scan3A_43 = arith.constant 64 : i32
    %mul3A_44 = arith.constant 64 : i32
    %mul3A_45 = arith.muli %arg1, %mul3A_44 : i32
    "tpu.region"() ({
      %run_scoped3A = tpu.sem_alloc : memref<!tpu.dma_semaphore, #tpu.memory_space<semaphore_mem>>
      %dma_start3A = arith.constant 0 : i32
      %dma_start3A_113 = tpu.memref_slice %arg14[%mul3A_45, %dma_start3A] : memref<1024x128xf32, #tpu.memory_space<vmem_shared>> -> memref<64x128xf32, #tpu.memory_space<vmem_shared>>
      tpu.enqueue_dma source(%arg5 : memref<64x128xf32, #tpu.memory_space<hbm>>) target(%dma_start3A_113 : memref<64x128xf32, #tpu.memory_space<vmem_shared>>) target_semaphore(%run_scoped3A : memref<!tpu.dma_semaphore, #tpu.memory_space<semaphore_mem>>)
      %dma_wait3A = arith.constant 0 : i32
      %dma_wait3A_114 = tpu.memref_slice %arg14[%mul3A_45, %dma_wait3A] : memref<1024x128xf32, #tpu.memory_space<vmem_shared>> -> memref<64x128xf32, #tpu.memory_space<vmem_shared>>
      tpu.wait_dma2 semaphore(%run_scoped3A : memref<!tpu.dma_semaphore, #tpu.memory_space<semaphore_mem>>) src(%arg5 : memref<64x128xf32, #tpu.memory_space<hbm>>) dst(%dma_wait3A_114 : memref<64x128xf32, #tpu.memory_space<vmem_shared>>)
      tpu.yield
    }) : () -> ()
    %gt3A_46 = arith.constant 0 : i32
    %gt3A_47 = arith.cmpi sgt, %select_n3A, %gt3A_46 : i32
    %convert_element_type3A_48 = arith.extui %gt3A_47 : i1 to i32
    %cond3A_49 = arith.constant 0 : i32
    %cond3A_50 = arith.cmpi ne, %convert_element_type3A_48, %cond3A_49 : i32
    scf.if %cond3A_50 {
      %add3A_113 = arith.constant 0 : i32
      %add3A_114 = arith.addi %mul3A_29, %add3A_113 : i32
      %dma_start3A = arith.constant 0 : i32
      %dma_start3A_115 = arith.constant 0 : i32
      %dma_start3A_116 = arith.constant 0 : i32
      %dma_start3A_117 = arith.constant 0 : i32
      %dma_start3A_118 = tpu.memref_slice %arg10[%dma_start3A, %dma_start3A_116, %dma_start3A_117] : memref<3x256x128xf32, #tpu.memory_space<vmem>> -> memref<1x256x128xf32, #tpu.memory_space<vmem>>
      %dma_start3A_119 = tpu.memref_squeeze %dma_start3A_118 : memref<1x256x128xf32, #tpu.memory_space<vmem>> -> memref<256x128xf32, #tpu.memory_space<vmem>>
      %dma_start3A_120 = arith.constant 0 : i32
      %dma_start3A_121 = tpu.memref_slice %arg2[%add3A_114, %dma_start3A_120] : memref<320000x128xf32, #tpu.memory_space<hbm>> -> memref<256x128xf32, #tpu.memory_space<hbm>>
      %dma_start3A_122 = tpu.memref_slice %arg15[%dma_start3A_115] : memref<3x!tpu.dma_semaphore, #tpu.memory_space<semaphore_mem>> -> memref<1x!tpu.dma_semaphore, #tpu.memory_space<semaphore_mem>>
      %dma_start3A_123 = tpu.memref_squeeze %dma_start3A_122 : memref<1x!tpu.dma_semaphore, #tpu.memory_space<semaphore_mem>> -> memref<!tpu.dma_semaphore, #tpu.memory_space<semaphore_mem>>
      %dma_start3A_124 = arith.constant 0 : i32
      %dma_start3A_125 = arith.constant 0 : i32
      %dma_start3A_126 = tpu.memref_slice %arg10[%dma_start3A, %dma_start3A_124, %dma_start3A_125] : memref<3x256x128xf32, #tpu.memory_space<vmem>> -> memref<1x256x128xf32, #tpu.memory_space<vmem>>
      %dma_start3A_127 = tpu.memref_squeeze %dma_start3A_126 : memref<1x256x128xf32, #tpu.memory_space<vmem>> -> memref<256x128xf32, #tpu.memory_space<vmem>>
      %dma_start3A_128 = arith.constant 0 : i32
      %dma_start3A_129 = tpu.memref_slice %arg2[%add3A_114, %dma_start3A_128] : memref<320000x128xf32, #tpu.memory_space<hbm>> -> memref<256x128xf32, #tpu.memory_space<hbm>>
      tpu.enqueue_dma source(%dma_start3A_129 : memref<256x128xf32, #tpu.memory_space<hbm>>) target(%dma_start3A_127 : memref<256x128xf32, #tpu.memory_space<vmem>>) target_semaphore(%dma_start3A_123 : memref<!tpu.dma_semaphore, #tpu.memory_space<semaphore_mem>>)
    } else {
    }
    %gt3A_51 = arith.constant 1 : i32
    %gt3A_52 = arith.cmpi sgt, %select_n3A, %gt3A_51 : i32
    %convert_element_type3A_53 = arith.extui %gt3A_52 : i1 to i32
    %cond3A_54 = arith.constant 0 : i32
    %cond3A_55 = arith.cmpi ne, %convert_element_type3A_53, %cond3A_54 : i32
    scf.if %cond3A_55 {
      %add3A_113 = arith.constant 256 : i32
      %add3A_114 = arith.addi %mul3A_29, %add3A_113 : i32
      %dma_start3A = arith.constant 1 : i32
      %dma_start3A_115 = arith.constant 1 : i32
      %dma_start3A_116 = arith.constant 0 : i32
      %dma_start3A_117 = arith.constant 0 : i32
      %dma_start3A_118 = tpu.memref_slice %arg10[%dma_start3A, %dma_start3A_116, %dma_start3A_117] : memref<3x256x128xf32, #tpu.memory_space<vmem>> -> memref<1x256x128xf32, #tpu.memory_space<vmem>>
      %dma_start3A_119 = tpu.memref_squeeze %dma_start3A_118 : memref<1x256x128xf32, #tpu.memory_space<vmem>> -> memref<256x128xf32, #tpu.memory_space<vmem>>
      %dma_start3A_120 = arith.constant 0 : i32
      %dma_start3A_121 = tpu.memref_slice %arg2[%add3A_114, %dma_start3A_120] : memref<320000x128xf32, #tpu.memory_space<hbm>> -> memref<256x128xf32, #tpu.memory_space<hbm>>
      %dma_start3A_122 = tpu.memref_slice %arg15[%dma_start3A_115] : memref<3x!tpu.dma_semaphore, #tpu.memory_space<semaphore_mem>> -> memref<1x!tpu.dma_semaphore, #tpu.memory_space<semaphore_mem>>
      %dma_start3A_123 = tpu.memref_squeeze %dma_start3A_122 : memref<1x!tpu.dma_semaphore, #tpu.memory_space<semaphore_mem>> -> memref<!tpu.dma_semaphore, #tpu.memory_space<semaphore_mem>>
      %dma_start3A_124 = arith.constant 0 : i32
      %dma_start3A_125 = arith.constant 0 : i32
      %dma_start3A_126 = tpu.memref_slice %arg10[%dma_start3A, %dma_start3A_124, %dma_start3A_125] : memref<3x256x128xf32, #tpu.memory_space<vmem>> -> memref<1x256x128xf32, #tpu.memory_space<vmem>>
      %dma_start3A_127 = tpu.memref_squeeze %dma_start3A_126 : memref<1x256x128xf32, #tpu.memory_space<vmem>> -> memref<256x128xf32, #tpu.memory_space<vmem>>
      %dma_start3A_128 = arith.constant 0 : i32
      %dma_start3A_129 = tpu.memref_slice %arg2[%add3A_114, %dma_start3A_128] : memref<320000x128xf32, #tpu.memory_space<hbm>> -> memref<256x128xf32, #tpu.memory_space<hbm>>
      tpu.enqueue_dma source(%dma_start3A_129 : memref<256x128xf32, #tpu.memory_space<hbm>>) target(%dma_start3A_127 : memref<256x128xf32, #tpu.memory_space<vmem>>) target_semaphore(%dma_start3A_123 : memref<!tpu.dma_semaphore, #tpu.memory_space<semaphore_mem>>)
    } else {
    }
    %gt3A_56 = arith.constant 2 : i32
    %gt3A_57 = arith.cmpi sgt, %select_n3A, %gt3A_56 : i32
    %convert_element_type3A_58 = arith.extui %gt3A_57 : i1 to i32
    %cond3A_59 = arith.constant 0 : i32
    %cond3A_60 = arith.cmpi ne, %convert_element_type3A_58, %cond3A_59 : i32
    scf.if %cond3A_60 {
      %add3A_113 = arith.constant 512 : i32
      %add3A_114 = arith.addi %mul3A_29, %add3A_113 : i32
      %dma_start3A = arith.constant 2 : i32
      %dma_start3A_115 = arith.constant 2 : i32
      %dma_start3A_116 = arith.constant 0 : i32
      %dma_start3A_117 = arith.constant 0 : i32
      %dma_start3A_118 = tpu.memref_slice %arg10[%dma_start3A, %dma_start3A_116, %dma_start3A_117] : memref<3x256x128xf32, #tpu.memory_space<vmem>> -> memref<1x256x128xf32, #tpu.memory_space<vmem>>
      %dma_start3A_119 = tpu.memref_squeeze %dma_start3A_118 : memref<1x256x128xf32, #tpu.memory_space<vmem>> -> memref<256x128xf32, #tpu.memory_space<vmem>>
      %dma_start3A_120 = arith.constant 0 : i32
      %dma_start3A_121 = tpu.memref_slice %arg2[%add3A_114, %dma_start3A_120] : memref<320000x128xf32, #tpu.memory_space<hbm>> -> memref<256x128xf32, #tpu.memory_space<hbm>>
      %dma_start3A_122 = tpu.memref_slice %arg15[%dma_start3A_115] : memref<3x!tpu.dma_semaphore, #tpu.memory_space<semaphore_mem>> -> memref<1x!tpu.dma_semaphore, #tpu.memory_space<semaphore_mem>>
      %dma_start3A_123 = tpu.memref_squeeze %dma_start3A_122 : memref<1x!tpu.dma_semaphore, #tpu.memory_space<semaphore_mem>> -> memref<!tpu.dma_semaphore, #tpu.memory_space<semaphore_mem>>
      %dma_start3A_124 = arith.constant 0 : i32
      %dma_start3A_125 = arith.constant 0 : i32
      %dma_start3A_126 = tpu.memref_slice %arg10[%dma_start3A, %dma_start3A_124, %dma_start3A_125] : memref<3x256x128xf32, #tpu.memory_space<vmem>> -> memref<1x256x128xf32, #tpu.memory_space<vmem>>
      %dma_start3A_127 = tpu.memref_squeeze %dma_start3A_126 : memref<1x256x128xf32, #tpu.memory_space<vmem>> -> memref<256x128xf32, #tpu.memory_space<vmem>>
      %dma_start3A_128 = arith.constant 0 : i32
      %dma_start3A_129 = tpu.memref_slice %arg2[%add3A_114, %dma_start3A_128] : memref<320000x128xf32, #tpu.memory_space<hbm>> -> memref<256x128xf32, #tpu.memory_space<hbm>>
      tpu.enqueue_dma source(%dma_start3A_129 : memref<256x128xf32, #tpu.memory_space<hbm>>) target(%dma_start3A_127 : memref<256x128xf32, #tpu.memory_space<vmem>>) target_semaphore(%dma_start3A_123 : memref<!tpu.dma_semaphore, #tpu.memory_space<semaphore_mem>>)
    } else {
    }
    %iota3A = tpu.iota {dimensions = array<i32: 0>} : vector<16xi32>
    %sub3A_61 = arith.constant 1 : i32
    %sub3A_62 = vector.broadcast %sub3A_61 : i32 to vector<16xi32>
    %sub3A_63 = arith.subi %iota3A, %sub3A_62 : vector<16xi32>
    %max3A = arith.constant 0 : i32
    %max3A_64 = vector.broadcast %max3A : i32 to vector<16xi32>
    %max3A_65 = arith.maxsi %sub3A_63, %max3A_64 : vector<16xi32>
    %mul3A_66 = arith.constant 0 : i32
    %mul3A_67 = vector.broadcast %mul3A_66 : i32 to vector<16xi32>
    %mul3A_68 = arith.muli %iota3A, %mul3A_67 : vector<16xi32>
    %add3A_69 = arith.constant 15 : i32
    %add3A_70 = vector.broadcast %add3A_69 : i32 to vector<16xi32>
    %add3A_71 = arith.addi %mul3A_68, %add3A_70 : vector<16xi32>
    %eq3A_72 = arith.constant 0 : i32
    %eq3A_73 = vector.broadcast %eq3A_72 : i32 to vector<16xi32>
    %eq3A_74 = arith.cmpi eq, %iota3A, %eq3A_73 : vector<16xi32>
    %get3A = arith.constant 0 : index
    %get3A_75 = tpu.vector_load %arg13[%get3A] {strides = array<i32>} : memref<16xi32, #tpu.memory_space<vmem>>, vector<16xi32>,
    %lt3A = arith.constant 0 : i32
    %lt3A_76 = vector.broadcast %lt3A : i32 to vector<16xi32>
    %lt3A_77 = arith.cmpi slt, %add3A_71, %lt3A_76 : vector<16xi32>
    %add3A_78 = arith.constant 16 : i32
    %add3A_79 = vector.broadcast %add3A_78 : i32 to vector<16xi32>
    %add3A_80 = arith.addi %add3A_71, %add3A_79 : vector<16xi32>
    %select_n3A_81 = arith.select %lt3A_77, %add3A_80, %add3A_71 : vector<16xi1>, vector<16xi32>
    %broadcast_in_dim3A_82 = vector.shape_cast %select_n3A_81 : vector<16xi32> to vector<16x1xi32>
    %gather3A = vector.shape_cast %broadcast_in_dim3A_82 : vector<16x1xi32> to vector<16xi32>
    %gather3A_83 = tpu.dynamic_gather %get3A_75[%gather3A] in [0] : vector<16xi32>, vector<16xi32> -> vector<16xi32>
    %mul3A_84 = arith.constant 8 : i32
    %mul3A_85 = arith.muli %min3A_4, %mul3A_84 : i32
    %while3A = arith.constant 0 : i32
    %while3A_86 = arith.subi %mul3A_85, %while3A : i32
    %while3A_87 = arith.addi %while3A, %while3A_86 : i32
    %while3A_88 = arith.constant 1 : i32
    %while3A_89 = arith.divsi %while3A_86, %while3A_88 : i32
    %while3A_90 = arith.muli %while3A_89, %while3A_88 : i32
    %while3A_91 = arith.addi %while3A, %while3A_90 : i32
    %while3A_92 = arith.constant 1 : i32
    %while3A_93 = scf.for %while3A_113 = %while3A to %while3A_91 step %while3A_92 iter_args(%while3A_114 = %gather3A_83) -> (vector<16xi32>)  : i32 {
      %mul3A_115 = arith.constant 16 : i32
      %mul3A_116 = arith.muli %while3A_113, %mul3A_115 : i32
      %get3A_117 = arith.index_cast %mul3A_116 : i32 to index
      %get3A_118 = tpu.vector_load %arg9[%get3A_117] {strides = array<i32>} : memref<10240xi32, #tpu.memory_space<vmem>>, vector<16xi32>,
      %lt3A_119 = arith.constant 0 : i32
      %lt3A_120 = vector.broadcast %lt3A_119 : i32 to vector<16xi32>
      %lt3A_121 = arith.cmpi slt, %max3A_65, %lt3A_120 : vector<16xi32>
      %add3A_122 = arith.constant 16 : i32
      %add3A_123 = vector.broadcast %add3A_122 : i32 to vector<16xi32>
      %add3A_124 = arith.addi %max3A_65, %add3A_123 : vector<16xi32>
      %select_n3A_125 = arith.select %lt3A_121, %add3A_124, %max3A_65 : vector<16xi1>, vector<16xi32>
      %broadcast_in_dim3A_126 = vector.shape_cast %select_n3A_125 : vector<16xi32> to vector<16x1xi32>
      %gather3A_127 = vector.shape_cast %broadcast_in_dim3A_126 : vector<16x1xi32> to vector<16xi32>
      %gather3A_128 = tpu.dynamic_gather %get3A_118[%gather3A_127] in [0] : vector<16xi32>, vector<16xi32> -> vector<16xi32>
      %select_n3A_129 = arith.select %eq3A_74, %while3A_114, %gather3A_128 : vector<16xi1>, vector<16xi32>
      %ne3A_130 = arith.cmpi ne, %get3A_118, %select_n3A_129 : vector<16xi32>
      %mul3A_131 = arith.constant 16 : i32
      %mul3A_132 = arith.muli %while3A_113, %mul3A_131 : i32
      %add3A_133 = arith.addi %mul3A_29, %mul3A_132 : i32
      %add3A_134 = vector.broadcast %add3A_133 : i32 to vector<16xi32>
      %add3A_135 = arith.addi %add3A_134, %iota3A : vector<16xi32>
      %convert_element_type3A_136 = arith.sitofp %add3A_135 : vector<16xi32> to vector<16xf32>
      tpu.vector_store_idx %arg11[%get3A_118], %convert_element_type3A_136 masked %ne3A_130 : memref<1024xf32, #tpu.memory_space<vmem>>[vector<16xi32>], vector<16xf32>, vector<16xi1>
      %ge3A = arith.constant 0 : i32
      %ge3A_137 = vector.broadcast %ge3A : i32 to vector<16xi32>
      %ge3A_138 = arith.cmpi sge, %select_n3A_129, %ge3A_137 : vector<16xi32>
      %and3A_139 = arith.andi %ne3A_130, %ge3A_138 : vector<16xi1>
      tpu.vector_store_idx %arg12[%select_n3A_129], %convert_element_type3A_136 masked %and3A_139 : memref<1024xf32, #tpu.memory_space<vmem>>[vector<16xi32>], vector<16xf32>, vector<16xi1>
      %lt3A_140 = arith.constant 0 : i32
      %lt3A_141 = vector.broadcast %lt3A_140 : i32 to vector<16xi32>
      %lt3A_142 = arith.cmpi slt, %add3A_71, %lt3A_141 : vector<16xi32>
      %add3A_143 = arith.constant 16 : i32
      %add3A_144 = vector.broadcast %add3A_143 : i32 to vector<16xi32>
      %add3A_145 = arith.addi %add3A_71, %add3A_144 : vector<16xi32>
      %select_n3A_146 = arith.select %lt3A_142, %add3A_145, %add3A_71 : vector<16xi1>, vector<16xi32>
      %broadcast_in_dim3A_147 = vector.shape_cast %select_n3A_146 : vector<16xi32> to vector<16x1xi32>
      %gather3A_148 = vector.shape_cast %broadcast_in_dim3A_147 : vector<16x1xi32> to vector<16xi32>
      %gather3A_149 = tpu.dynamic_gather %get3A_118[%gather3A_148] in [0] : vector<16xi32>, vector<16xi32> -> vector<16xi32>
      scf.yield %gather3A_149 : vector<16xi32>
    }
    %while3A_94 = arith.constant 1 : i32
    %while3A_95 = scf.for %while3A_113 = %while3A_91 to %while3A_87 step %while3A_94 iter_args(%while3A_114 = %while3A_93) -> (vector<16xi32>)  : i32 {
      %mul3A_115 = arith.constant 16 : i32
      %mul3A_116 = arith.muli %while3A_113, %mul3A_115 : i32
      %get3A_117 = arith.index_cast %mul3A_116 : i32 to index
      %get3A_118 = tpu.vector_load %arg9[%get3A_117] {strides = array<i32>} : memref<10240xi32, #tpu.memory_space<vmem>>, vector<16xi32>,
      %lt3A_119 = arith.constant 0 : i32
      %lt3A_120 = vector.broadcast %lt3A_119 : i32 to vector<16xi32>
      %lt3A_121 = arith.cmpi slt, %max3A_65, %lt3A_120 : vector<16xi32>
      %add3A_122 = arith.constant 16 : i32
      %add3A_123 = vector.broadcast %add3A_122 : i32 to vector<16xi32>
      %add3A_124 = arith.addi %max3A_65, %add3A_123 : vector<16xi32>
      %select_n3A_125 = arith.select %lt3A_121, %add3A_124, %max3A_65 : vector<16xi1>, vector<16xi32>
      %broadcast_in_dim3A_126 = vector.shape_cast %select_n3A_125 : vector<16xi32> to vector<16x1xi32>
      %gather3A_127 = vector.shape_cast %broadcast_in_dim3A_126 : vector<16x1xi32> to vector<16xi32>
      %gather3A_128 = tpu.dynamic_gather %get3A_118[%gather3A_127] in [0] : vector<16xi32>, vector<16xi32> -> vector<16xi32>
      %select_n3A_129 = arith.select %eq3A_74, %while3A_114, %gather3A_128 : vector<16xi1>, vector<16xi32>
      %ne3A_130 = arith.cmpi ne, %get3A_118, %select_n3A_129 : vector<16xi32>
      %mul3A_131 = arith.constant 16 : i32
      %mul3A_132 = arith.muli %while3A_113, %mul3A_131 : i32
      %add3A_133 = arith.addi %mul3A_29, %mul3A_132 : i32
      %add3A_134 = vector.broadcast %add3A_133 : i32 to vector<16xi32>
      %add3A_135 = arith.addi %add3A_134, %iota3A : vector<16xi32>
      %convert_element_type3A_136 = arith.sitofp %add3A_135 : vector<16xi32> to vector<16xf32>
      tpu.vector_store_idx %arg11[%get3A_118], %convert_element_type3A_136 masked %ne3A_130 : memref<1024xf32, #tpu.memory_space<vmem>>[vector<16xi32>], vector<16xf32>, vector<16xi1>
      %ge3A = arith.constant 0 : i32
      %ge3A_137 = vector.broadcast %ge3A : i32 to vector<16xi32>
      %ge3A_138 = arith.cmpi sge, %select_n3A_129, %ge3A_137 : vector<16xi32>
      %and3A_139 = arith.andi %ne3A_130, %ge3A_138 : vector<16xi1>
      tpu.vector_store_idx %arg12[%select_n3A_129], %convert_element_type3A_136 masked %and3A_139 : memref<1024xf32, #tpu.memory_space<vmem>>[vector<16xi32>], vector<16xf32>, vector<16xi1>
      %lt3A_140 = arith.constant 0 : i32
      %lt3A_141 = vector.broadcast %lt3A_140 : i32 to vector<16xi32>
      %lt3A_142 = arith.cmpi slt, %add3A_71, %lt3A_141 : vector<16xi32>
      %add3A_143 = arith.constant 16 : i32
      %add3A_144 = vector.broadcast %add3A_143 : i32 to vector<16xi32>
      %add3A_145 = arith.addi %add3A_71, %add3A_144 : vector<16xi32>
      %select_n3A_146 = arith.select %lt3A_142, %add3A_145, %add3A_71 : vector<16xi1>, vector<16xi32>
      %broadcast_in_dim3A_147 = vector.shape_cast %select_n3A_146 : vector<16xi32> to vector<16x1xi32>
      %gather3A_148 = vector.shape_cast %broadcast_in_dim3A_147 : vector<16x1xi32> to vector<16xi32>
      %gather3A_149 = tpu.dynamic_gather %get3A_118[%gather3A_148] in [0] : vector<16xi32>, vector<16xi32> -> vector<16xi32>
      scf.yield %gather3A_149 : vector<16xi32>
    }
    %eq3A_96 = arith.constant 31 : i32
    %eq3A_97 = arith.cmpi eq, %add3A, %eq3A_96 : i32
    %convert_element_type3A_98 = arith.extui %eq3A_97 : i1 to i32
    %cond3A_99 = arith.constant 0 : i32
    %cond3A_100 = arith.cmpi ne, %convert_element_type3A_98, %cond3A_99 : i32
    scf.if %cond3A_100 {
      %broadcast_in_dim3A_113 = arith.constant 3.200000e+05 : f32
      %broadcast_in_dim3A_114 = vector.broadcast %broadcast_in_dim3A_113 : f32 to vector<16xf32>
      tpu.vector_store_idx %arg12[%while3A_95], %broadcast_in_dim3A_114 masked %eq3A_74 : memref<1024xf32, #tpu.memory_space<vmem>>[vector<16xi32>], vector<16xf32>, vector<16xi1>
    } else {
    }
    %barrier3A = arith.constant 0 : index
    tpu.barrier barrier_id(%barrier3A)
    %scan3A_101 = arith.constant 0 : i32
    %scan3A_102 = arith.constant 0 : i32
    %scan3A_103 = arith.constant 14 : i32
    %scan3A_104 = arith.addi %scan3A_102, %scan3A_103 : i32
    %scan3A_105 = arith.constant 1 : i32
    scf.for %scan3A_113 = %scan3A_102 to %scan3A_104 step %scan3A_105  : i32 {
      %mul3A_114 = arith.constant 3 : i32
      %mul3A_115 = arith.muli %scan3A_113, %mul3A_114 : i32
      %add3A_116 = arith.constant 0 : i32
      %add3A_117 = arith.addi %mul3A_115, %add3A_116 : i32
      %lt3A_118 = arith.cmpi slt, %add3A_117, %select_n3A : i32
      %convert_element_type3A_119 = arith.extui %lt3A_118 : i1 to i32
      %cond3A_120 = arith.constant 0 : i32
      %cond3A_121 = arith.cmpi ne, %convert_element_type3A_119, %cond3A_120 : i32
      scf.if %cond3A_121 {
        %mul3A_168 = arith.constant 256 : i32
        %mul3A_169 = arith.muli %add3A_117, %mul3A_168 : i32
        %add3A_170 = arith.addi %mul3A_29, %mul3A_169 : i32
        %dma_wait3A = arith.constant 0 : i32
        %dma_wait3A_171 = arith.constant 0 : i32
        %dma_wait3A_172 = arith.constant 0 : i32
        %dma_wait3A_173 = arith.constant 0 : i32
        %dma_wait3A_174 = tpu.memref_slice %arg10[%dma_wait3A, %dma_wait3A_172, %dma_wait3A_173] : memref<3x256x128xf32, #tpu.memory_space<vmem>> -> memref<1x256x128xf32, #tpu.memory_space<vmem>>
        %dma_wait3A_175 = tpu.memref_squeeze %dma_wait3A_174 : memref<1x256x128xf32, #tpu.memory_space<vmem>> -> memref<256x128xf32, #tpu.memory_space<vmem>>
        %dma_wait3A_176 = arith.constant 0 : i32
        %dma_wait3A_177 = tpu.memref_slice %arg2[%add3A_170, %dma_wait3A_176] : memref<320000x128xf32, #tpu.memory_space<hbm>> -> memref<256x128xf32, #tpu.memory_space<hbm>>
        %dma_wait3A_178 = tpu.memref_slice %arg15[%dma_wait3A_171] : memref<3x!tpu.dma_semaphore, #tpu.memory_space<semaphore_mem>> -> memref<1x!tpu.dma_semaphore, #tpu.memory_space<semaphore_mem>>
        %dma_wait3A_179 = tpu.memref_squeeze %dma_wait3A_178 : memref<1x!tpu.dma_semaphore, #tpu.memory_space<semaphore_mem>> -> memref<!tpu.dma_semaphore, #tpu.memory_space<semaphore_mem>>
        %dma_wait3A_180 = arith.constant 0 : i32
        %dma_wait3A_181 = arith.constant 0 : i32
        %dma_wait3A_182 = tpu.memref_slice %arg10[%dma_wait3A, %dma_wait3A_180, %dma_wait3A_181] : memref<3x256x128xf32, #tpu.memory_space<vmem>> -> memref<1x256x128xf32, #tpu.memory_space<vmem>>
        %dma_wait3A_183 = tpu.memref_squeeze %dma_wait3A_182 : memref<1x256x128xf32, #tpu.memory_space<vmem>> -> memref<256x128xf32, #tpu.memory_space<vmem>>
        %dma_wait3A_184 = arith.constant 0 : i32
        %dma_wait3A_185 = tpu.memref_slice %arg2[%add3A_170, %dma_wait3A_184] : memref<320000x128xf32, #tpu.memory_space<hbm>> -> memref<256x128xf32, #tpu.memory_space<hbm>>
        tpu.wait_dma2 semaphore(%dma_wait3A_179 : memref<!tpu.dma_semaphore, #tpu.memory_space<semaphore_mem>>) src(%dma_wait3A_185 : memref<256x128xf32, #tpu.memory_space<hbm>>) dst(%dma_wait3A_183 : memref<256x128xf32, #tpu.memory_space<vmem>>)
      } else {
      }
      %lt3A_122 = arith.cmpi slt, %add3A_117, %select_n3A : i32
      %convert_element_type3A_123 = arith.extui %lt3A_122 : i1 to i32
      %cond3A_124 = arith.constant 0 : i32
      %cond3A_125 = arith.cmpi ne, %convert_element_type3A_123, %cond3A_124 : i32
      scf.if %cond3A_125 {
        %run_scoped3A = arith.constant 0 : i32
        %run_scoped3A_168 = arith.constant 0 : i32
        "tpu.region"() ({
          %run_scoped3A_171 = tpu.sem_alloc : memref<!tpu.dma_semaphore, #tpu.memory_space<semaphore_mem>>
          %dma_start3A = arith.constant 0 : i32
          %dma_start3A_172 = arith.constant 0 : i32
          %dma_start3A_173 = tpu.memref_slice %arg10[%run_scoped3A, %dma_start3A, %dma_start3A_172] : memref<3x256x128xf32, #tpu.memory_space<vmem>> -> memref<1x128x128xf32, #tpu.memory_space<vmem>>
          %dma_start3A_174 = tpu.memref_squeeze %dma_start3A_173 : memref<1x128x128xf32, #tpu.memory_space<vmem>> -> memref<128x128xf32, #tpu.memory_space<vmem>>
          %dma_start3A_175 = arith.constant 0 : i32
          %dma_start3A_176 = tpu.memref_slice %arg8[%add3A_117, %run_scoped3A_168, %dma_start3A_175] : memref<40x2x128xi32, #tpu.memory_space<vmem>> -> memref<1x1x128xi32, #tpu.memory_space<vmem>>
          %dma_start3A_177 = tpu.memref_squeeze %dma_start3A_176 : memref<1x1x128xi32, #tpu.memory_space<vmem>> -> memref<128xi32, #tpu.memory_space<vmem>>
          %dma_start3A_178 = arith.constant 0 : i32
          %dma_start3A_179 = arith.constant 0 : i32
          %dma_start3A_180 = tpu.memref_slice %arg14[%dma_start3A_178, %dma_start3A_179] : memref<1024x128xf32, #tpu.memory_space<vmem_shared>> -> memref<1024x128xf32, #tpu.memory_space<vmem_shared>>
          tpu.enqueue_indirect_dma source(%dma_start3A_174 : memref<128x128xf32, #tpu.memory_space<vmem>>) target(%dma_start3A_180 : memref<1024x128xf32, #tpu.memory_space<vmem_shared>>) offsets(%dma_start3A_177 : memref<128xi32, #tpu.memory_space<vmem>>) semaphore(%run_scoped3A_171 : memref<!tpu.dma_semaphore, #tpu.memory_space<semaphore_mem>>) {add = true}
          %dma_wait3A = arith.constant 0 : i32
          %dma_wait3A_181 = arith.constant 0 : i32
          %dma_wait3A_182 = tpu.memref_slice %arg10[%run_scoped3A, %dma_wait3A, %dma_wait3A_181] : memref<3x256x128xf32, #tpu.memory_space<vmem>> -> memref<1x128x128xf32, #tpu.memory_space<vmem>>
          %dma_wait3A_183 = tpu.memref_squeeze %dma_wait3A_182 : memref<1x128x128xf32, #tpu.memory_space<vmem>> -> memref<128x128xf32, #tpu.memory_space<vmem>>
          %dma_wait3A_184 = arith.constant 0 : i32
          %dma_wait3A_185 = tpu.memref_slice %arg8[%add3A_117, %run_scoped3A_168, %dma_wait3A_184] : memref<40x2x128xi32, #tpu.memory_space<vmem>> -> memref<1x1x128xi32, #tpu.memory_space<vmem>>
          %dma_wait3A_186 = tpu.memref_squeeze %dma_wait3A_185 : memref<1x1x128xi32, #tpu.memory_space<vmem>> -> memref<128xi32, #tpu.memory_space<vmem>>
          %dma_wait3A_187 = arith.constant 0 : i32
          %dma_wait3A_188 = arith.constant 0 : i32
          %dma_wait3A_189 = tpu.memref_slice %arg14[%dma_wait3A_187, %dma_wait3A_188] : memref<1024x128xf32, #tpu.memory_space<vmem_shared>> -> memref<1024x128xf32, #tpu.memory_space<vmem_shared>>
          tpu.wait_indirect_dma semaphore(%run_scoped3A_171 : memref<!tpu.dma_semaphore, #tpu.memory_space<semaphore_mem>>) src(%dma_wait3A_183 : memref<128x128xf32, #tpu.memory_space<vmem>>) dst(%dma_wait3A_189 : memref<1024x128xf32, #tpu.memory_space<vmem_shared>>)
          tpu.yield
        }) : () -> ()
        %run_scoped3A_169 = arith.constant 0 : i32
        %run_scoped3A_170 = arith.constant 1 : i32
        "tpu.region"() ({
          %run_scoped3A_171 = tpu.sem_alloc : memref<!tpu.dma_semaphore, #tpu.memory_space<semaphore_mem>>
          %dma_start3A = arith.constant 128 : i32
          %dma_start3A_172 = arith.constant 0 : i32
          %dma_start3A_173 = tpu.memref_slice %arg10[%run_scoped3A_169, %dma_start3A, %dma_start3A_172] : memref<3x256x128xf32, #tpu.memory_space<vmem>> -> memref<1x128x128xf32, #tpu.memory_space<vmem>>
          %dma_start3A_174 = tpu.memref_squeeze %dma_start3A_173 : memref<1x128x128xf32, #tpu.memory_space<vmem>> -> memref<128x128xf32, #tpu.memory_space<vmem>>
          %dma_start3A_175 = arith.constant 0 : i32
          %dma_start3A_176 = tpu.memref_slice %arg8[%add3A_117, %run_scoped3A_170, %dma_start3A_175] : memref<40x2x128xi32, #tpu.memory_space<vmem>> -> memref<1x1x128xi32, #tpu.memory_space<vmem>>
          %dma_start3A_177 = tpu.memref_squeeze %dma_start3A_176 : memref<1x1x128xi32, #tpu.memory_space<vmem>> -> memref<128xi32, #tpu.memory_space<vmem>>
          %dma_start3A_178 = arith.constant 0 : i32
          %dma_start3A_179 = arith.constant 0 : i32
          %dma_start3A_180 = tpu.memref_slice %arg14[%dma_start3A_178, %dma_start3A_179] : memref<1024x128xf32, #tpu.memory_space<vmem_shared>> -> memref<1024x128xf32, #tpu.memory_space<vmem_shared>>
          tpu.enqueue_indirect_dma source(%dma_start3A_174 : memref<128x128xf32, #tpu.memory_space<vmem>>) target(%dma_start3A_180 : memref<1024x128xf32, #tpu.memory_space<vmem_shared>>) offsets(%dma_start3A_177 : memref<128xi32, #tpu.memory_space<vmem>>) semaphore(%run_scoped3A_171 : memref<!tpu.dma_semaphore, #tpu.memory_space<semaphore_mem>>) {add = true}
          %dma_wait3A = arith.constant 128 : i32
          %dma_wait3A_181 = arith.constant 0 : i32
          %dma_wait3A_182 = tpu.memref_slice %arg10[%run_scoped3A_169, %dma_wait3A, %dma_wait3A_181] : memref<3x256x128xf32, #tpu.memory_space<vmem>> -> memref<1x128x128xf32, #tpu.memory_space<vmem>>
          %dma_wait3A_183 = tpu.memref_squeeze %dma_wait3A_182 : memref<1x128x128xf32, #tpu.memory_space<vmem>> -> memref<128x128xf32, #tpu.memory_space<vmem>>
          %dma_wait3A_184 = arith.constant 0 : i32
          %dma_wait3A_185 = tpu.memref_slice %arg8[%add3A_117, %run_scoped3A_170, %dma_wait3A_184] : memref<40x2x128xi32, #tpu.memory_space<vmem>> -> memref<1x1x128xi32, #tpu.memory_space<vmem>>
          %dma_wait3A_186 = tpu.memref_squeeze %dma_wait3A_185 : memref<1x1x128xi32, #tpu.memory_space<vmem>> -> memref<128xi32, #tpu.memory_space<vmem>>
          %dma_wait3A_187 = arith.constant 0 : i32
          %dma_wait3A_188 = arith.constant 0 : i32
          %dma_wait3A_189 = tpu.memref_slice %arg14[%dma_wait3A_187, %dma_wait3A_188] : memref<1024x128xf32, #tpu.memory_space<vmem_shared>> -> memref<1024x128xf32, #tpu.memory_space<vmem_shared>>
          tpu.wait_indirect_dma semaphore(%run_scoped3A_171 : memref<!tpu.dma_semaphore, #tpu.memory_space<semaphore_mem>>) src(%dma_wait3A_183 : memref<128x128xf32, #tpu.memory_space<vmem>>) dst(%dma_wait3A_189 : memref<1024x128xf32, #tpu.memory_space<vmem_shared>>)
          tpu.yield
        }) : () -> ()
      } else {
      }
      %add3A_126 = arith.constant 3 : i32
      %add3A_127 = arith.addi %add3A_117, %add3A_126 : i32
      %lt3A_128 = arith.cmpi slt, %add3A_127, %select_n3A : i32
      %convert_element_type3A_129 = arith.extui %lt3A_128 : i1 to i32
      %cond3A_130 = arith.constant 0 : i32
      %cond3A_131 = arith.cmpi ne, %convert_element_type3A_129, %cond3A_130 : i32
      scf.if %cond3A_131 {
        %mul3A_168 = arith.constant 256 : i32
        %mul3A_169 = arith.muli %add3A_127, %mul3A_168 : i32
        %add3A_170 = arith.addi %mul3A_29, %mul3A_169 : i32
        %dma_start3A = arith.constant 0 : i32
        %dma_start3A_171 = arith.constant 0 : i32
        %dma_start3A_172 = arith.constant 0 : i32
        %dma_start3A_173 = arith.constant 0 : i32
        %dma_start3A_174 = tpu.memref_slice %arg10[%dma_start3A, %dma_start3A_172, %dma_start3A_173] : memref<3x256x128xf32, #tpu.memory_space<vmem>> -> memref<1x256x128xf32, #tpu.memory_space<vmem>>
        %dma_start3A_175 = tpu.memref_squeeze %dma_start3A_174 : memref<1x256x128xf32, #tpu.memory_space<vmem>> -> memref<256x128xf32, #tpu.memory_space<vmem>>
        %dma_start3A_176 = arith.constant 0 : i32
        %dma_start3A_177 = tpu.memref_slice %arg2[%add3A_170, %dma_start3A_176] : memref<320000x128xf32, #tpu.memory_space<hbm>> -> memref<256x128xf32, #tpu.memory_space<hbm>>
        %dma_start3A_178 = tpu.memref_slice %arg15[%dma_start3A_171] : memref<3x!tpu.dma_semaphore, #tpu.memory_space<semaphore_mem>> -> memref<1x!tpu.dma_semaphore, #tpu.memory_space<semaphore_mem>>
        %dma_start3A_179 = tpu.memref_squeeze %dma_start3A_178 : memref<1x!tpu.dma_semaphore, #tpu.memory_space<semaphore_mem>> -> memref<!tpu.dma_semaphore, #tpu.memory_space<semaphore_mem>>
        %dma_start3A_180 = arith.constant 0 : i32
        %dma_start3A_181 = arith.constant 0 : i32
        %dma_start3A_182 = tpu.memref_slice %arg10[%dma_start3A, %dma_start3A_180, %dma_start3A_181] : memref<3x256x128xf32, #tpu.memory_space<vmem>> -> memref<1x256x128xf32, #tpu.memory_space<vmem>>
        %dma_start3A_183 = tpu.memref_squeeze %dma_start3A_182 : memref<1x256x128xf32, #tpu.memory_space<vmem>> -> memref<256x128xf32, #tpu.memory_space<vmem>>
        %dma_start3A_184 = arith.constant 0 : i32
        %dma_start3A_185 = tpu.memref_slice %arg2[%add3A_170, %dma_start3A_184] : memref<320000x128xf32, #tpu.memory_space<hbm>> -> memref<256x128xf32, #tpu.memory_space<hbm>>
        tpu.enqueue_dma source(%dma_start3A_185 : memref<256x128xf32, #tpu.memory_space<hbm>>) target(%dma_start3A_183 : memref<256x128xf32, #tpu.memory_space<vmem>>) target_semaphore(%dma_start3A_179 : memref<!tpu.dma_semaphore, #tpu.memory_space<semaphore_mem>>)
      } else {
      }
      %mul3A_132 = arith.constant 3 : i32
      %mul3A_133 = arith.muli %scan3A_113, %mul3A_132 : i32
      %add3A_134 = arith.constant 1 : i32
      %add3A_135 = arith.addi %mul3A_133, %add3A_134 : i32
      %lt3A_136 = arith.cmpi slt, %add3A_135, %select_n3A : i32
      %convert_element_type3A_137 = arith.extui %lt3A_136 : i1 to i32
      %cond3A_138 = arith.constant 0 : i32
      %cond3A_139 = arith.cmpi ne, %convert_element_type3A_137, %cond3A_138 : i32
      scf.if %cond3A_139 {
        %mul3A_168 = arith.constant 256 : i32
        %mul3A_169 = arith.muli %add3A_135, %mul3A_168 : i32
        %add3A_170 = arith.addi %mul3A_29, %mul3A_169 : i32
        %dma_wait3A = arith.constant 1 : i32
        %dma_wait3A_171 = arith.constant 1 : i32
        %dma_wait3A_172 = arith.constant 0 : i32
        %dma_wait3A_173 = arith.constant 0 : i32
        %dma_wait3A_174 = tpu.memref_slice %arg10[%dma_wait3A, %dma_wait3A_172, %dma_wait3A_173] : memref<3x256x128xf32, #tpu.memory_space<vmem>> -> memref<1x256x128xf32, #tpu.memory_space<vmem>>
        %dma_wait3A_175 = tpu.memref_squeeze %dma_wait3A_174 : memref<1x256x128xf32, #tpu.memory_space<vmem>> -> memref<256x128xf32, #tpu.memory_space<vmem>>
        %dma_wait3A_176 = arith.constant 0 : i32
        %dma_wait3A_177 = tpu.memref_slice %arg2[%add3A_170, %dma_wait3A_176] : memref<320000x128xf32, #tpu.memory_space<hbm>> -> memref<256x128xf32, #tpu.memory_space<hbm>>
        %dma_wait3A_178 = tpu.memref_slice %arg15[%dma_wait3A_171] : memref<3x!tpu.dma_semaphore, #tpu.memory_space<semaphore_mem>> -> memref<1x!tpu.dma_semaphore, #tpu.memory_space<semaphore_mem>>
        %dma_wait3A_179 = tpu.memref_squeeze %dma_wait3A_178 : memref<1x!tpu.dma_semaphore, #tpu.memory_space<semaphore_mem>> -> memref<!tpu.dma_semaphore, #tpu.memory_space<semaphore_mem>>
        %dma_wait3A_180 = arith.constant 0 : i32
        %dma_wait3A_181 = arith.constant 0 : i32
        %dma_wait3A_182 = tpu.memref_slice %arg10[%dma_wait3A, %dma_wait3A_180, %dma_wait3A_181] : memref<3x256x128xf32, #tpu.memory_space<vmem>> -> memref<1x256x128xf32, #tpu.memory_space<vmem>>
        %dma_wait3A_183 = tpu.memref_squeeze %dma_wait3A_182 : memref<1x256x128xf32, #tpu.memory_space<vmem>> -> memref<256x128xf32, #tpu.memory_space<vmem>>
        %dma_wait3A_184 = arith.constant 0 : i32
        %dma_wait3A_185 = tpu.memref_slice %arg2[%add3A_170, %dma_wait3A_184] : memref<320000x128xf32, #tpu.memory_space<hbm>> -> memref<256x128xf32, #tpu.memory_space<hbm>>
        tpu.wait_dma2 semaphore(%dma_wait3A_179 : memref<!tpu.dma_semaphore, #tpu.memory_space<semaphore_mem>>) src(%dma_wait3A_185 : memref<256x128xf32, #tpu.memory_space<hbm>>) dst(%dma_wait3A_183 : memref<256x128xf32, #tpu.memory_space<vmem>>)
      } else {
      }
      %lt3A_140 = arith.cmpi slt, %add3A_135, %select_n3A : i32
      %convert_element_type3A_141 = arith.extui %lt3A_140 : i1 to i32
      %cond3A_142 = arith.constant 0 : i32
      %cond3A_143 = arith.cmpi ne, %convert_element_type3A_141, %cond3A_142 : i32
      scf.if %cond3A_143 {
        %run_scoped3A = arith.constant 1 : i32
        %run_scoped3A_168 = arith.constant 0 : i32
        "tpu.region"() ({
          %run_scoped3A_171 = tpu.sem_alloc : memref<!tpu.dma_semaphore, #tpu.memory_space<semaphore_mem>>
          %dma_start3A = arith.constant 0 : i32
          %dma_start3A_172 = arith.constant 0 : i32
          %dma_start3A_173 = tpu.memref_slice %arg10[%run_scoped3A, %dma_start3A, %dma_start3A_172] : memref<3x256x128xf32, #tpu.memory_space<vmem>> -> memref<1x128x128xf32, #tpu.memory_space<vmem>>
          %dma_start3A_174 = tpu.memref_squeeze %dma_start3A_173 : memref<1x128x128xf32, #tpu.memory_space<vmem>> -> memref<128x128xf32, #tpu.memory_space<vmem>>
          %dma_start3A_175 = arith.constant 0 : i32
          %dma_start3A_176 = tpu.memref_slice %arg8[%add3A_135, %run_scoped3A_168, %dma_start3A_175] : memref<40x2x128xi32, #tpu.memory_space<vmem>> -> memref<1x1x128xi32, #tpu.memory_space<vmem>>
          %dma_start3A_177 = tpu.memref_squeeze %dma_start3A_176 : memref<1x1x128xi32, #tpu.memory_space<vmem>> -> memref<128xi32, #tpu.memory_space<vmem>>
          %dma_start3A_178 = arith.constant 0 : i32
          %dma_start3A_179 = arith.constant 0 : i32
          %dma_start3A_180 = tpu.memref_slice %arg14[%dma_start3A_178, %dma_start3A_179] : memref<1024x128xf32, #tpu.memory_space<vmem_shared>> -> memref<1024x128xf32, #tpu.memory_space<vmem_shared>>
          tpu.enqueue_indirect_dma source(%dma_start3A_174 : memref<128x128xf32, #tpu.memory_space<vmem>>) target(%dma_start3A_180 : memref<1024x128xf32, #tpu.memory_space<vmem_shared>>) offsets(%dma_start3A_177 : memref<128xi32, #tpu.memory_space<vmem>>) semaphore(%run_scoped3A_171 : memref<!tpu.dma_semaphore, #tpu.memory_space<semaphore_mem>>) {add = true}
          %dma_wait3A = arith.constant 0 : i32
          %dma_wait3A_181 = arith.constant 0 : i32
          %dma_wait3A_182 = tpu.memref_slice %arg10[%run_scoped3A, %dma_wait3A, %dma_wait3A_181] : memref<3x256x128xf32, #tpu.memory_space<vmem>> -> memref<1x128x128xf32, #tpu.memory_space<vmem>>
          %dma_wait3A_183 = tpu.memref_squeeze %dma_wait3A_182 : memref<1x128x128xf32, #tpu.memory_space<vmem>> -> memref<128x128xf32, #tpu.memory_space<vmem>>
          %dma_wait3A_184 = arith.constant 0 : i32
          %dma_wait3A_185 = tpu.memref_slice %arg8[%add3A_135, %run_scoped3A_168, %dma_wait3A_184] : memref<40x2x128xi32, #tpu.memory_space<vmem>> -> memref<1x1x128xi32, #tpu.memory_space<vmem>>
          %dma_wait3A_186 = tpu.memref_squeeze %dma_wait3A_185 : memref<1x1x128xi32, #tpu.memory_space<vmem>> -> memref<128xi32, #tpu.memory_space<vmem>>
          %dma_wait3A_187 = arith.constant 0 : i32
          %dma_wait3A_188 = arith.constant 0 : i32
          %dma_wait3A_189 = tpu.memref_slice %arg14[%dma_wait3A_187, %dma_wait3A_188] : memref<1024x128xf32, #tpu.memory_space<vmem_shared>> -> memref<1024x128xf32, #tpu.memory_space<vmem_shared>>
          tpu.wait_indirect_dma semaphore(%run_scoped3A_171 : memref<!tpu.dma_semaphore, #tpu.memory_space<semaphore_mem>>) src(%dma_wait3A_183 : memref<128x128xf32, #tpu.memory_space<vmem>>) dst(%dma_wait3A_189 : memref<1024x128xf32, #tpu.memory_space<vmem_shared>>)
          tpu.yield
        }) : () -> ()
        %run_scoped3A_169 = arith.constant 1 : i32
        %run_scoped3A_170 = arith.constant 1 : i32
        "tpu.region"() ({
          %run_scoped3A_171 = tpu.sem_alloc : memref<!tpu.dma_semaphore, #tpu.memory_space<semaphore_mem>>
          %dma_start3A = arith.constant 128 : i32
          %dma_start3A_172 = arith.constant 0 : i32
          %dma_start3A_173 = tpu.memref_slice %arg10[%run_scoped3A_169, %dma_start3A, %dma_start3A_172] : memref<3x256x128xf32, #tpu.memory_space<vmem>> -> memref<1x128x128xf32, #tpu.memory_space<vmem>>
          %dma_start3A_174 = tpu.memref_squeeze %dma_start3A_173 : memref<1x128x128xf32, #tpu.memory_space<vmem>> -> memref<128x128xf32, #tpu.memory_space<vmem>>
          %dma_start3A_175 = arith.constant 0 : i32
          %dma_start3A_176 = tpu.memref_slice %arg8[%add3A_135, %run_scoped3A_170, %dma_start3A_175] : memref<40x2x128xi32, #tpu.memory_space<vmem>> -> memref<1x1x128xi32, #tpu.memory_space<vmem>>
          %dma_start3A_177 = tpu.memref_squeeze %dma_start3A_176 : memref<1x1x128xi32, #tpu.memory_space<vmem>> -> memref<128xi32, #tpu.memory_space<vmem>>
          %dma_start3A_178 = arith.constant 0 : i32
          %dma_start3A_179 = arith.constant 0 : i32
          %dma_start3A_180 = tpu.memref_slice %arg14[%dma_start3A_178, %dma_start3A_179] : memref<1024x128xf32, #tpu.memory_space<vmem_shared>> -> memref<1024x128xf32, #tpu.memory_space<vmem_shared>>
          tpu.enqueue_indirect_dma source(%dma_start3A_174 : memref<128x128xf32, #tpu.memory_space<vmem>>) target(%dma_start3A_180 : memref<1024x128xf32, #tpu.memory_space<vmem_shared>>) offsets(%dma_start3A_177 : memref<128xi32, #tpu.memory_space<vmem>>) semaphore(%run_scoped3A_171 : memref<!tpu.dma_semaphore, #tpu.memory_space<semaphore_mem>>) {add = true}
          %dma_wait3A = arith.constant 128 : i32
          %dma_wait3A_181 = arith.constant 0 : i32
          %dma_wait3A_182 = tpu.memref_slice %arg10[%run_scoped3A_169, %dma_wait3A, %dma_wait3A_181] : memref<3x256x128xf32, #tpu.memory_space<vmem>> -> memref<1x128x128xf32, #tpu.memory_space<vmem>>
          %dma_wait3A_183 = tpu.memref_squeeze %dma_wait3A_182 : memref<1x128x128xf32, #tpu.memory_space<vmem>> -> memref<128x128xf32, #tpu.memory_space<vmem>>
          %dma_wait3A_184 = arith.constant 0 : i32
          %dma_wait3A_185 = tpu.memref_slice %arg8[%add3A_135, %run_scoped3A_170, %dma_wait3A_184] : memref<40x2x128xi32, #tpu.memory_space<vmem>> -> memref<1x1x128xi32, #tpu.memory_space<vmem>>
          %dma_wait3A_186 = tpu.memref_squeeze %dma_wait3A_185 : memref<1x1x128xi32, #tpu.memory_space<vmem>> -> memref<128xi32, #tpu.memory_space<vmem>>
          %dma_wait3A_187 = arith.constant 0 : i32
          %dma_wait3A_188 = arith.constant 0 : i32
          %dma_wait3A_189 = tpu.memref_slice %arg14[%dma_wait3A_187, %dma_wait3A_188] : memref<1024x128xf32, #tpu.memory_space<vmem_shared>> -> memref<1024x128xf32, #tpu.memory_space<vmem_shared>>
          tpu.wait_indirect_dma semaphore(%run_scoped3A_171 : memref<!tpu.dma_semaphore, #tpu.memory_space<semaphore_mem>>) src(%dma_wait3A_183 : memref<128x128xf32, #tpu.memory_space<vmem>>) dst(%dma_wait3A_189 : memref<1024x128xf32, #tpu.memory_space<vmem_shared>>)
          tpu.yield
        }) : () -> ()
      } else {
      }
      %add3A_144 = arith.constant 3 : i32
      %add3A_145 = arith.addi %add3A_135, %add3A_144 : i32
      %lt3A_146 = arith.cmpi slt, %add3A_145, %select_n3A : i32
      %convert_element_type3A_147 = arith.extui %lt3A_146 : i1 to i32
      %cond3A_148 = arith.constant 0 : i32
      %cond3A_149 = arith.cmpi ne, %convert_element_type3A_147, %cond3A_148 : i32
      scf.if %cond3A_149 {
        %mul3A_168 = arith.constant 256 : i32
        %mul3A_169 = arith.muli %add3A_145, %mul3A_168 : i32
        %add3A_170 = arith.addi %mul3A_29, %mul3A_169 : i32
        %dma_start3A = arith.constant 1 : i32
        %dma_start3A_171 = arith.constant 1 : i32
        %dma_start3A_172 = arith.constant 0 : i32
        %dma_start3A_173 = arith.constant 0 : i32
        %dma_start3A_174 = tpu.memref_slice %arg10[%dma_start3A, %dma_start3A_172, %dma_start3A_173] : memref<3x256x128xf32, #tpu.memory_space<vmem>> -> memref<1x256x128xf32, #tpu.memory_space<vmem>>
        %dma_start3A_175 = tpu.memref_squeeze %dma_start3A_174 : memref<1x256x128xf32, #tpu.memory_space<vmem>> -> memref<256x128xf32, #tpu.memory_space<vmem>>
        %dma_start3A_176 = arith.constant 0 : i32
        %dma_start3A_177 = tpu.memref_slice %arg2[%add3A_170, %dma_start3A_176] : memref<320000x128xf32, #tpu.memory_space<hbm>> -> memref<256x128xf32, #tpu.memory_space<hbm>>
        %dma_start3A_178 = tpu.memref_slice %arg15[%dma_start3A_171] : memref<3x!tpu.dma_semaphore, #tpu.memory_space<semaphore_mem>> -> memref<1x!tpu.dma_semaphore, #tpu.memory_space<semaphore_mem>>
        %dma_start3A_179 = tpu.memref_squeeze %dma_start3A_178 : memref<1x!tpu.dma_semaphore, #tpu.memory_space<semaphore_mem>> -> memref<!tpu.dma_semaphore, #tpu.memory_space<semaphore_mem>>
        %dma_start3A_180 = arith.constant 0 : i32
        %dma_start3A_181 = arith.constant 0 : i32
        %dma_start3A_182 = tpu.memref_slice %arg10[%dma_start3A, %dma_start3A_180, %dma_start3A_181] : memref<3x256x128xf32, #tpu.memory_space<vmem>> -> memref<1x256x128xf32, #tpu.memory_space<vmem>>
        %dma_start3A_183 = tpu.memref_squeeze %dma_start3A_182 : memref<1x256x128xf32, #tpu.memory_space<vmem>> -> memref<256x128xf32, #tpu.memory_space<vmem>>
        %dma_start3A_184 = arith.constant 0 : i32
        %dma_start3A_185 = tpu.memref_slice %arg2[%add3A_170, %dma_start3A_184] : memref<320000x128xf32, #tpu.memory_space<hbm>> -> memref<256x128xf32, #tpu.memory_space<hbm>>
        tpu.enqueue_dma source(%dma_start3A_185 : memref<256x128xf32, #tpu.memory_space<hbm>>) target(%dma_start3A_183 : memref<256x128xf32, #tpu.memory_space<vmem>>) target_semaphore(%dma_start3A_179 : memref<!tpu.dma_semaphore, #tpu.memory_space<semaphore_mem>>)
      } else {
      }
      %mul3A_150 = arith.constant 3 : i32
      %mul3A_151 = arith.muli %scan3A_113, %mul3A_150 : i32
      %add3A_152 = arith.constant 2 : i32
      %add3A_153 = arith.addi %mul3A_151, %add3A_152 : i32
      %lt3A_154 = arith.cmpi slt, %add3A_153, %select_n3A : i32
      %convert_element_type3A_155 = arith.extui %lt3A_154 : i1 to i32
      %cond3A_156 = arith.constant 0 : i32
      %cond3A_157 = arith.cmpi ne, %convert_element_type3A_155, %cond3A_156 : i32
      scf.if %cond3A_157 {
        %mul3A_168 = arith.constant 256 : i32
        %mul3A_169 = arith.muli %add3A_153, %mul3A_168 : i32
        %add3A_170 = arith.addi %mul3A_29, %mul3A_169 : i32
        %dma_wait3A = arith.constant 2 : i32
        %dma_wait3A_171 = arith.constant 2 : i32
        %dma_wait3A_172 = arith.constant 0 : i32
        %dma_wait3A_173 = arith.constant 0 : i32
        %dma_wait3A_174 = tpu.memref_slice %arg10[%dma_wait3A, %dma_wait3A_172, %dma_wait3A_173] : memref<3x256x128xf32, #tpu.memory_space<vmem>> -> memref<1x256x128xf32, #tpu.memory_space<vmem>>
        %dma_wait3A_175 = tpu.memref_squeeze %dma_wait3A_174 : memref<1x256x128xf32, #tpu.memory_space<vmem>> -> memref<256x128xf32, #tpu.memory_space<vmem>>
        %dma_wait3A_176 = arith.constant 0 : i32
        %dma_wait3A_177 = tpu.memref_slice %arg2[%add3A_170, %dma_wait3A_176] : memref<320000x128xf32, #tpu.memory_space<hbm>> -> memref<256x128xf32, #tpu.memory_space<hbm>>
        %dma_wait3A_178 = tpu.memref_slice %arg15[%dma_wait3A_171] : memref<3x!tpu.dma_semaphore, #tpu.memory_space<semaphore_mem>> -> memref<1x!tpu.dma_semaphore, #tpu.memory_space<semaphore_mem>>
        %dma_wait3A_179 = tpu.memref_squeeze %dma_wait3A_178 : memref<1x!tpu.dma_semaphore, #tpu.memory_space<semaphore_mem>> -> memref<!tpu.dma_semaphore, #tpu.memory_space<semaphore_mem>>
        %dma_wait3A_180 = arith.constant 0 : i32
        %dma_wait3A_181 = arith.constant 0 : i32
        %dma_wait3A_182 = tpu.memref_slice %arg10[%dma_wait3A, %dma_wait3A_180, %dma_wait3A_181] : memref<3x256x128xf32, #tpu.memory_space<vmem>> -> memref<1x256x128xf32, #tpu.memory_space<vmem>>
        %dma_wait3A_183 = tpu.memref_squeeze %dma_wait3A_182 : memref<1x256x128xf32, #tpu.memory_space<vmem>> -> memref<256x128xf32, #tpu.memory_space<vmem>>
        %dma_wait3A_184 = arith.constant 0 : i32
        %dma_wait3A_185 = tpu.memref_slice %arg2[%add3A_170, %dma_wait3A_184] : memref<320000x128xf32, #tpu.memory_space<hbm>> -> memref<256x128xf32, #tpu.memory_space<hbm>>
        tpu.wait_dma2 semaphore(%dma_wait3A_179 : memref<!tpu.dma_semaphore, #tpu.memory_space<semaphore_mem>>) src(%dma_wait3A_185 : memref<256x128xf32, #tpu.memory_space<hbm>>) dst(%dma_wait3A_183 : memref<256x128xf32, #tpu.memory_space<vmem>>)
      } else {
      }
      %lt3A_158 = arith.cmpi slt, %add3A_153, %select_n3A : i32
      %convert_element_type3A_159 = arith.extui %lt3A_158 : i1 to i32
      %cond3A_160 = arith.constant 0 : i32
      %cond3A_161 = arith.cmpi ne, %convert_element_type3A_159, %cond3A_160 : i32
      scf.if %cond3A_161 {
        %run_scoped3A = arith.constant 2 : i32
        %run_scoped3A_168 = arith.constant 0 : i32
        "tpu.region"() ({
          %run_scoped3A_171 = tpu.sem_alloc : memref<!tpu.dma_semaphore, #tpu.memory_space<semaphore_mem>>
          %dma_start3A = arith.constant 0 : i32
          %dma_start3A_172 = arith.constant 0 : i32
          %dma_start3A_173 = tpu.memref_slice %arg10[%run_scoped3A, %dma_start3A, %dma_start3A_172] : memref<3x256x128xf32, #tpu.memory_space<vmem>> -> memref<1x128x128xf32, #tpu.memory_space<vmem>>
          %dma_start3A_174 = tpu.memref_squeeze %dma_start3A_173 : memref<1x128x128xf32, #tpu.memory_space<vmem>> -> memref<128x128xf32, #tpu.memory_space<vmem>>
          %dma_start3A_175 = arith.constant 0 : i32
          %dma_start3A_176 = tpu.memref_slice %arg8[%add3A_153, %run_scoped3A_168, %dma_start3A_175] : memref<40x2x128xi32, #tpu.memory_space<vmem>> -> memref<1x1x128xi32, #tpu.memory_space<vmem>>
          %dma_start3A_177 = tpu.memref_squeeze %dma_start3A_176 : memref<1x1x128xi32, #tpu.memory_space<vmem>> -> memref<128xi32, #tpu.memory_space<vmem>>
          %dma_start3A_178 = arith.constant 0 : i32
          %dma_start3A_179 = arith.constant 0 : i32
          %dma_start3A_180 = tpu.memref_slice %arg14[%dma_start3A_178, %dma_start3A_179] : memref<1024x128xf32, #tpu.memory_space<vmem_shared>> -> memref<1024x128xf32, #tpu.memory_space<vmem_shared>>
          tpu.enqueue_indirect_dma source(%dma_start3A_174 : memref<128x128xf32, #tpu.memory_space<vmem>>) target(%dma_start3A_180 : memref<1024x128xf32, #tpu.memory_space<vmem_shared>>) offsets(%dma_start3A_177 : memref<128xi32, #tpu.memory_space<vmem>>) semaphore(%run_scoped3A_171 : memref<!tpu.dma_semaphore, #tpu.memory_space<semaphore_mem>>) {add = true}
          %dma_wait3A = arith.constant 0 : i32
          %dma_wait3A_181 = arith.constant 0 : i32
          %dma_wait3A_182 = tpu.memref_slice %arg10[%run_scoped3A, %dma_wait3A, %dma_wait3A_181] : memref<3x256x128xf32, #tpu.memory_space<vmem>> -> memref<1x128x128xf32, #tpu.memory_space<vmem>>
          %dma_wait3A_183 = tpu.memref_squeeze %dma_wait3A_182 : memref<1x128x128xf32, #tpu.memory_space<vmem>> -> memref<128x128xf32, #tpu.memory_space<vmem>>
          %dma_wait3A_184 = arith.constant 0 : i32
          %dma_wait3A_185 = tpu.memref_slice %arg8[%add3A_153, %run_scoped3A_168, %dma_wait3A_184] : memref<40x2x128xi32, #tpu.memory_space<vmem>> -> memref<1x1x128xi32, #tpu.memory_space<vmem>>
          %dma_wait3A_186 = tpu.memref_squeeze %dma_wait3A_185 : memref<1x1x128xi32, #tpu.memory_space<vmem>> -> memref<128xi32, #tpu.memory_space<vmem>>
          %dma_wait3A_187 = arith.constant 0 : i32
          %dma_wait3A_188 = arith.constant 0 : i32
          %dma_wait3A_189 = tpu.memref_slice %arg14[%dma_wait3A_187, %dma_wait3A_188] : memref<1024x128xf32, #tpu.memory_space<vmem_shared>> -> memref<1024x128xf32, #tpu.memory_space<vmem_shared>>
          tpu.wait_indirect_dma semaphore(%run_scoped3A_171 : memref<!tpu.dma_semaphore, #tpu.memory_space<semaphore_mem>>) src(%dma_wait3A_183 : memref<128x128xf32, #tpu.memory_space<vmem>>) dst(%dma_wait3A_189 : memref<1024x128xf32, #tpu.memory_space<vmem_shared>>)
          tpu.yield
        }) : () -> ()
        %run_scoped3A_169 = arith.constant 2 : i32
        %run_scoped3A_170 = arith.constant 1 : i32
        "tpu.region"() ({
          %run_scoped3A_171 = tpu.sem_alloc : memref<!tpu.dma_semaphore, #tpu.memory_space<semaphore_mem>>
          %dma_start3A = arith.constant 128 : i32
          %dma_start3A_172 = arith.constant 0 : i32
          %dma_start3A_173 = tpu.memref_slice %arg10[%run_scoped3A_169, %dma_start3A, %dma_start3A_172] : memref<3x256x128xf32, #tpu.memory_space<vmem>> -> memref<1x128x128xf32, #tpu.memory_space<vmem>>
          %dma_start3A_174 = tpu.memref_squeeze %dma_start3A_173 : memref<1x128x128xf32, #tpu.memory_space<vmem>> -> memref<128x128xf32, #tpu.memory_space<vmem>>
          %dma_start3A_175 = arith.constant 0 : i32
          %dma_start3A_176 = tpu.memref_slice %arg8[%add3A_153, %run_scoped3A_170, %dma_start3A_175] : memref<40x2x128xi32, #tpu.memory_space<vmem>> -> memref<1x1x128xi32, #tpu.memory_space<vmem>>
          %dma_start3A_177 = tpu.memref_squeeze %dma_start3A_176 : memref<1x1x128xi32, #tpu.memory_space<vmem>> -> memref<128xi32, #tpu.memory_space<vmem>>
          %dma_start3A_178 = arith.constant 0 : i32
          %dma_start3A_179 = arith.constant 0 : i32
          %dma_start3A_180 = tpu.memref_slice %arg14[%dma_start3A_178, %dma_start3A_179] : memref<1024x128xf32, #tpu.memory_space<vmem_shared>> -> memref<1024x128xf32, #tpu.memory_space<vmem_shared>>
          tpu.enqueue_indirect_dma source(%dma_start3A_174 : memref<128x128xf32, #tpu.memory_space<vmem>>) target(%dma_start3A_180 : memref<1024x128xf32, #tpu.memory_space<vmem_shared>>) offsets(%dma_start3A_177 : memref<128xi32, #tpu.memory_space<vmem>>) semaphore(%run_scoped3A_171 : memref<!tpu.dma_semaphore, #tpu.memory_space<semaphore_mem>>) {add = true}
          %dma_wait3A = arith.constant 128 : i32
          %dma_wait3A_181 = arith.constant 0 : i32
          %dma_wait3A_182 = tpu.memref_slice %arg10[%run_scoped3A_169, %dma_wait3A, %dma_wait3A_181] : memref<3x256x128xf32, #tpu.memory_space<vmem>> -> memref<1x128x128xf32, #tpu.memory_space<vmem>>
          %dma_wait3A_183 = tpu.memref_squeeze %dma_wait3A_182 : memref<1x128x128xf32, #tpu.memory_space<vmem>> -> memref<128x128xf32, #tpu.memory_space<vmem>>
          %dma_wait3A_184 = arith.constant 0 : i32
          %dma_wait3A_185 = tpu.memref_slice %arg8[%add3A_153, %run_scoped3A_170, %dma_wait3A_184] : memref<40x2x128xi32, #tpu.memory_space<vmem>> -> memref<1x1x128xi32, #tpu.memory_space<vmem>>
          %dma_wait3A_186 = tpu.memref_squeeze %dma_wait3A_185 : memref<1x1x128xi32, #tpu.memory_space<vmem>> -> memref<128xi32, #tpu.memory_space<vmem>>
          %dma_wait3A_187 = arith.constant 0 : i32
          %dma_wait3A_188 = arith.constant 0 : i32
          %dma_wait3A_189 = tpu.memref_slice %arg14[%dma_wait3A_187, %dma_wait3A_188] : memref<1024x128xf32, #tpu.memory_space<vmem_shared>> -> memref<1024x128xf32, #tpu.memory_space<vmem_shared>>
          tpu.wait_indirect_dma semaphore(%run_scoped3A_171 : memref<!tpu.dma_semaphore, #tpu.memory_space<semaphore_mem>>) src(%dma_wait3A_183 : memref<128x128xf32, #tpu.memory_space<vmem>>) dst(%dma_wait3A_189 : memref<1024x128xf32, #tpu.memory_space<vmem_shared>>)
          tpu.yield
        }) : () -> ()
      } else {
      }
      %add3A_162 = arith.constant 3 : i32
      %add3A_163 = arith.addi %add3A_153, %add3A_162 : i32
      %lt3A_164 = arith.cmpi slt, %add3A_163, %select_n3A : i32
      %convert_element_type3A_165 = arith.extui %lt3A_164 : i1 to i32
      %cond3A_166 = arith.constant 0 : i32
      %cond3A_167 = arith.cmpi ne, %convert_element_type3A_165, %cond3A_166 : i32
      scf.if %cond3A_167 {
        %mul3A_168 = arith.constant 256 : i32
        %mul3A_169 = arith.muli %add3A_163, %mul3A_168 : i32
        %add3A_170 = arith.addi %mul3A_29, %mul3A_169 : i32
        %dma_start3A = arith.constant 2 : i32
        %dma_start3A_171 = arith.constant 2 : i32
        %dma_start3A_172 = arith.constant 0 : i32
        %dma_start3A_173 = arith.constant 0 : i32
        %dma_start3A_174 = tpu.memref_slice %arg10[%dma_start3A, %dma_start3A_172, %dma_start3A_173] : memref<3x256x128xf32, #tpu.memory_space<vmem>> -> memref<1x256x128xf32, #tpu.memory_space<vmem>>
        %dma_start3A_175 = tpu.memref_squeeze %dma_start3A_174 : memref<1x256x128xf32, #tpu.memory_space<vmem>> -> memref<256x128xf32, #tpu.memory_space<vmem>>
        %dma_start3A_176 = arith.constant 0 : i32
        %dma_start3A_177 = tpu.memref_slice %arg2[%add3A_170, %dma_start3A_176] : memref<320000x128xf32, #tpu.memory_space<hbm>> -> memref<256x128xf32, #tpu.memory_space<hbm>>
        %dma_start3A_178 = tpu.memref_slice %arg15[%dma_start3A_171] : memref<3x!tpu.dma_semaphore, #tpu.memory_space<semaphore_mem>> -> memref<1x!tpu.dma_semaphore, #tpu.memory_space<semaphore_mem>>
        %dma_start3A_179 = tpu.memref_squeeze %dma_start3A_178 : memref<1x!tpu.dma_semaphore, #tpu.memory_space<semaphore_mem>> -> memref<!tpu.dma_semaphore, #tpu.memory_space<semaphore_mem>>
        %dma_start3A_180 = arith.constant 0 : i32
        %dma_start3A_181 = arith.constant 0 : i32
        %dma_start3A_182 = tpu.memref_slice %arg10[%dma_start3A, %dma_start3A_180, %dma_start3A_181] : memref<3x256x128xf32, #tpu.memory_space<vmem>> -> memref<1x256x128xf32, #tpu.memory_space<vmem>>
        %dma_start3A_183 = tpu.memref_squeeze %dma_start3A_182 : memref<1x256x128xf32, #tpu.memory_space<vmem>> -> memref<256x128xf32, #tpu.memory_space<vmem>>
        %dma_start3A_184 = arith.constant 0 : i32
        %dma_start3A_185 = tpu.memref_slice %arg2[%add3A_170, %dma_start3A_184] : memref<320000x128xf32, #tpu.memory_space<hbm>> -> memref<256x128xf32, #tpu.memory_space<hbm>>
        tpu.enqueue_dma source(%dma_start3A_185 : memref<256x128xf32, #tpu.memory_space<hbm>>) target(%dma_start3A_183 : memref<256x128xf32, #tpu.memory_space<vmem>>) target_semaphore(%dma_start3A_179 : memref<!tpu.dma_semaphore, #tpu.memory_space<semaphore_mem>>)
      } else {
      }
    }
    %scan3A_106 = arith.constant 14 : i32
    %barrier3A_107 = arith.constant 0 : index
    tpu.barrier barrier_id(%barrier3A_107)
    %mul3A_108 = arith.constant 1024 : i32
    %mul3A_109 = arith.muli %arg0, %mul3A_108 : i32
    %add3A_110 = arith.addi %mul3A_109, %mul3A_45 : i32
    "tpu.region"() ({
      %run_scoped3A = tpu.sem_alloc : memref<!tpu.dma_semaphore, #tpu.memory_space<semaphore_mem>>
      %dma_start3A = arith.constant 0 : i32
      %dma_start3A_113 = tpu.memref_slice %arg6[%add3A_110, %dma_start3A] : memref<2048x128xf32, #tpu.memory_space<hbm>> -> memref<64x128xf32, #tpu.memory_space<hbm>>
      %dma_start3A_114 = arith.constant 0 : i32
      %dma_start3A_115 = tpu.memref_slice %arg14[%mul3A_45, %dma_start3A_114] : memref<1024x128xf32, #tpu.memory_space<vmem_shared>> -> memref<64x128xf32, #tpu.memory_space<vmem_shared>>
      tpu.enqueue_dma source(%dma_start3A_115 : memref<64x128xf32, #tpu.memory_space<vmem_shared>>) target(%dma_start3A_113 : memref<64x128xf32, #tpu.memory_space<hbm>>) target_semaphore(%run_scoped3A : memref<!tpu.dma_semaphore, #tpu.memory_space<semaphore_mem>>)
      %dma_wait3A = arith.constant 0 : i32
      %dma_wait3A_116 = tpu.memref_slice %arg6[%add3A_110, %dma_wait3A] : memref<2048x128xf32, #tpu.memory_space<hbm>> -> memref<64x128xf32, #tpu.memory_space<hbm>>
      %dma_wait3A_117 = arith.constant 0 : i32
      %dma_wait3A_118 = tpu.memref_slice %arg14[%mul3A_45, %dma_wait3A_117] : memref<1024x128xf32, #tpu.memory_space<vmem_shared>> -> memref<64x128xf32, #tpu.memory_space<vmem_shared>>
      tpu.wait_dma2 semaphore(%run_scoped3A : memref<!tpu.dma_semaphore, #tpu.memory_space<semaphore_mem>>) src(%dma_wait3A_118 : memref<64x128xf32, #tpu.memory_space<vmem_shared>>) dst(%dma_wait3A_116 : memref<64x128xf32, #tpu.memory_space<hbm>>)
      tpu.yield
    }) : () -> ()
    "tpu.region"() ({
      %run_scoped3A = tpu.sem_alloc : memref<!tpu.dma_semaphore, #tpu.memory_space<semaphore_mem>>
      %dma_start3A = arith.constant 0 : i32
      %dma_start3A_113 = tpu.memref_slice %arg7[%add3A, %dma_start3A] : memref<64x1024xf32, #tpu.memory_space<hbm>> -> memref<1x1024xf32, #tpu.memory_space<hbm>>
      %dma_start3A_114 = tpu.memref_squeeze %dma_start3A_113 : memref<1x1024xf32, #tpu.memory_space<hbm>> -> memref<1024xf32, #tpu.memory_space<hbm>>
      %dma_start3A_115 = arith.constant 0 : i32
      %dma_start3A_116 = tpu.memref_slice %arg7[%add3A, %dma_start3A_115] : memref<64x1024xf32, #tpu.memory_space<hbm>> -> memref<1x1024xf32, #tpu.memory_space<hbm>>
      %dma_start3A_117 = tpu.memref_squeeze %dma_start3A_116 : memref<1x1024xf32, #tpu.memory_space<hbm>> -> memref<1024xf32, #tpu.memory_space<hbm>>
      tpu.enqueue_dma source(%arg11 : memref<1024xf32, #tpu.memory_space<vmem>>) target(%dma_start3A_117 : memref<1024xf32, #tpu.memory_space<hbm>>) target_semaphore(%run_scoped3A : memref<!tpu.dma_semaphore, #tpu.memory_space<semaphore_mem>>)
      %dma_wait3A = arith.constant 0 : i32
      %dma_wait3A_118 = tpu.memref_slice %arg7[%add3A, %dma_wait3A] : memref<64x1024xf32, #tpu.memory_space<hbm>> -> memref<1x1024xf32, #tpu.memory_space<hbm>>
      %dma_wait3A_119 = tpu.memref_squeeze %dma_wait3A_118 : memref<1x1024xf32, #tpu.memory_space<hbm>> -> memref<1024xf32, #tpu.memory_space<hbm>>
      %dma_wait3A_120 = arith.constant 0 : i32
      %dma_wait3A_121 = tpu.memref_slice %arg7[%add3A, %dma_wait3A_120] : memref<64x1024xf32, #tpu.memory_space<hbm>> -> memref<1x1024xf32, #tpu.memory_space<hbm>>
      %dma_wait3A_122 = tpu.memref_squeeze %dma_wait3A_121 : memref<1x1024xf32, #tpu.memory_space<hbm>> -> memref<1024xf32, #tpu.memory_space<hbm>>
      tpu.wait_dma2 semaphore(%run_scoped3A : memref<!tpu.dma_semaphore, #tpu.memory_space<semaphore_mem>>) src(%arg11 : memref<1024xf32, #tpu.memory_space<vmem>>) dst(%dma_wait3A_122 : memref<1024xf32, #tpu.memory_space<hbm>>)
      tpu.yield
    }) : () -> ()
    %add3A_111 = arith.constant 32 : i32
    %add3A_112 = arith.addi %add3A_111, %add3A : i32
    "tpu.region"() ({
      %run_scoped3A = tpu.sem_alloc : memref<!tpu.dma_semaphore, #tpu.memory_space<semaphore_mem>>
      %dma_start3A = arith.constant 0 : i32
      %dma_start3A_113 = tpu.memref_slice %arg7[%add3A_112, %dma_start3A] : memref<64x1024xf32, #tpu.memory_space<hbm>> -> memref<1x1024xf32, #tpu.memory_space<hbm>>
      %dma_start3A_114 = tpu.memref_squeeze %dma_start3A_113 : memref<1x1024xf32, #tpu.memory_space<hbm>> -> memref<1024xf32, #tpu.memory_space<hbm>>
      %dma_start3A_115 = arith.constant 0 : i32
      %dma_start3A_116 = tpu.memref_slice %arg7[%add3A_112, %dma_start3A_115] : memref<64x1024xf32, #tpu.memory_space<hbm>> -> memref<1x1024xf32, #tpu.memory_space<hbm>>
      %dma_start3A_117 = tpu.memref_squeeze %dma_start3A_116 : memref<1x1024xf32, #tpu.memory_space<hbm>> -> memref<1024xf32, #tpu.memory_space<hbm>>
      tpu.enqueue_dma source(%arg12 : memref<1024xf32, #tpu.memory_space<vmem>>) target(%dma_start3A_117 : memref<1024xf32, #tpu.memory_space<hbm>>) target_semaphore(%run_scoped3A : memref<!tpu.dma_semaphore, #tpu.memory_space<semaphore_mem>>)
      %dma_wait3A = arith.constant 0 : i32
      %dma_wait3A_118 = tpu.memref_slice %arg7[%add3A_112, %dma_wait3A] : memref<64x1024xf32, #tpu.memory_space<hbm>> -> memref<1x1024xf32, #tpu.memory_space<hbm>>
      %dma_wait3A_119 = tpu.memref_squeeze %dma_wait3A_118 : memref<1x1024xf32, #tpu.memory_space<hbm>> -> memref<1024xf32, #tpu.memory_space<hbm>>
      %dma_wait3A_120 = arith.constant 0 : i32
      %dma_wait3A_121 = tpu.memref_slice %arg7[%add3A_112, %dma_wait3A_120] : memref<64x1024xf32, #tpu.memory_space<hbm>> -> memref<1x1024xf32, #tpu.memory_space<hbm>>
      %dma_wait3A_122 = tpu.memref_squeeze %dma_wait3A_121 : memref<1x1024xf32, #tpu.memory_space<hbm>> -> memref<1024xf32, #tpu.memory_space<hbm>>
      tpu.wait_dma2 semaphore(%run_scoped3A : memref<!tpu.dma_semaphore, #tpu.memory_space<semaphore_mem>>) src(%arg12 : memref<1024xf32, #tpu.memory_space<vmem>>) dst(%dma_wait3A_122 : memref<1024xf32, #tpu.memory_space<hbm>>)
      tpu.yield
    }) : () -> ()
    return
  }
}

module attributes {stable_mosaic.version = 14 : i64} {
  func.func @_phase2_body(%arg0: memref<2048x128xf32, #tpu.memory_space<vmem>>, %arg1: memref<64x1024xf32, #tpu.memory_space<vmem>>, %arg2: memref<1024x128xf32, #tpu.memory_space<vmem>>) attributes {dimension_semantics = [], scalar_prefetch = 0 : i64, scratch_operands = 0 : i64, tpu.core_type = #tpu.core_type<tc>} {
    %get3A = arith.constant 0 : index
    %get3A_0 = arith.constant 0 : index
    %get3A_1 = vector.load %arg0[%get3A, %get3A_0] : memref<2048x128xf32, #tpu.memory_space<vmem>>, vector<1024x128xf32>
    %get3A_2 = arith.constant 1024 : index
    %get3A_3 = arith.constant 0 : index
    %get3A_4 = vector.load %arg0[%get3A_2, %get3A_3] : memref<2048x128xf32, #tpu.memory_space<vmem>>, vector<1024x128xf32>
    %add3A = arith.addf %get3A_1, %get3A_4 : vector<1024x128xf32>
    %get3A_5 = arith.constant 32 : index
    %get3A_6 = arith.constant 0 : index
    %get3A_7 = vector.load %arg1[%get3A_5, %get3A_6] : memref<64x1024xf32, #tpu.memory_space<vmem>>, vector<32x1024xf32>
    %reduce_sum3A = arith.constant dense<0.000000e+00> : vector<1024xf32>
    %reduce_sum3A_8 = vector.multi_reduction <add>, %get3A_7, %reduce_sum3A [0] : vector<32x1024xf32> to vector<1024xf32>
    %get3A_9 = arith.constant 0 : index
    %get3A_10 = arith.constant 0 : index
    %get3A_11 = vector.load %arg1[%get3A_9, %get3A_10] : memref<64x1024xf32, #tpu.memory_space<vmem>>, vector<32x1024xf32>
    %reduce_sum3A_12 = arith.constant dense<0.000000e+00> : vector<1024xf32>
    %reduce_sum3A_13 = vector.multi_reduction <add>, %get3A_11, %reduce_sum3A_12 [0] : vector<32x1024xf32> to vector<1024xf32>
    %sub3A = arith.subf %reduce_sum3A_8, %reduce_sum3A_13 : vector<1024xf32>
    %max3A = arith.constant 1.000000e+00 : f32
    %max3A_14 = vector.broadcast %max3A : f32 to vector<1024xf32>
    %max3A_15 = arith.maximumf %sub3A, %max3A_14 : vector<1024xf32>
    %broadcast_in_dim3A = vector.shape_cast %max3A_15 : vector<1024xf32> to vector<1024x1xf32>
    %div3A = vector.broadcast %broadcast_in_dim3A : vector<1024x1xf32> to vector<1024x128xf32>
    %div3A_16 = arith.divf %add3A, %div3A : vector<1024x128xf32>
    %swap3A = arith.constant 0 : index
    %swap3A_17 = arith.constant 0 : index
    %swap3A_18 = vector.load %arg2[%swap3A, %swap3A_17] : memref<1024x128xf32, #tpu.memory_space<vmem>>, vector<1024x128xf32>
    tpu.vector_store %arg2[%swap3A, %swap3A_17], %div3A_16 {strides = array<i32>} : memref<1024x128xf32, #tpu.memory_space<vmem>>, vector<1024x128xf32>,
    return
  }
}

</mosaic_0001>

<sc_bundles>
// kernel: kernel.4.cloned.1.call-start
scs
__scs_entry_jumppad:
0x0: {  	(pc) =	sbr.rel $0x88, $3  }
0x1: {  	(tag) =	ssettag $0x0;
	lr =	simm.s32 $0x1  }
0x2: {  	[smem:$0x3F9F] =	sst lr;
	_ =	strace $0xD0000000  }
0x3: {  	_ = 	snop  }
0x4: {  	_ = 	snop  }
0x5: {  	_ = 	snop  }
0x6: {  	_ = 	snop  }
0x7: {  	_ = 	snop  }
__scs_overlays_trampoline_lowered:
0x8: {  	[smem:$0x3FAE] =	sst s0  }
0x9: {  	[smem:$0x3FAF] =	sst s1  }
0xa: {  	[smem:$0x3FB0] =	sst s2  }
0xb: {  	[smem:$0x3FB1] =	sst s3  }
0xc: {  	[smem:$0x3FB2] =	sst s4  }
0xd: {  	[smem:$0x3FB3] =	sst s5  }
0xe: {  	[smem:$0x3FB4] =	sst s6  }
0xf: {  	[smem:$0x3FB5] =	sst s7  }
0x10: {  	[smem:$0x3FB6] =	sst s8  }
0x11: {  	[smem:$0x3FB7] =	sst s9;
	s0 =	simm.s32 @!p0 $0x0  }
0x12: {  	s1 =	sld [smem:$0x3F9D];
	s0 =	simm.s32 @p0 $0x1  }
0x13: {  	[smem:$0x3FB8] =	sst s0;
	s0 =	simm.s32 @!p1 $0x0  }
0x14: {  	s2 =	sld [smem:$0x3F9C];
	s0 =	simm.s32 @p1 $0x1  }
0x15: {  	[smem:$0x3FB9] =	sst s0;
	s0 =	simm.s32 @!p2 $0x0  }
0x16: {  	s3 =	sld [smem:$0x3FDB];
	s0 =	simm.s32 @p2 $0x1  }
0x17: {  	s4 =	simm.s32 $0x1BF5;
	[smem:$0x3FBB] =	sst s0  }
0x18: {  	s0 =	sld [smem:$0x3F9E];
	_ =	swait.ge [sflag:s4], $0x0  }
0x19: {  	s7 =	sld [smem:$0x3F9F]  }
0x1a: {  	s8 =	sadd.s32 $0xFFFFE003, lr  }
0x1b: {  	s9 =	sadd.s32 $0xFFFFFEF7, lr;
	s5 =	simm.s32 $0xFFFFFFFF;
	p2 =	slt.u32 s8, $0xFFFFF086  }
0x1c: {  	p1 =	slt.u32 s9, $0xF7A;
	s5 =	simm.s32 @!p2 $0x0  }
0x1d: {  	s5 =	simm.s32 @p1 $0x1;
	p0 =	seq.s32 s7, s2  }
0x1e: {  	s7 =	smul.u32 @!p0 $0xF7A, s2;
	p2 =	seq.s32 @!p0 s5, $0x0  }
0x1f: {  	s9 =	smul.u32 $0xF7A, s1;
	s8 =	simm.s32 @!p0 $0x1BF5;
	p2 =	por !p2, p0  }
0x20: {  	[sflag:s8] =	ssyncset.s32 @!p0 $0xFFFFF086;
	s6 =	sadd.s32 @!p0 s3, s7;
	s7 =	simm.s32 @!p0 $0x108  }
0x21: {  	s3 =	sadd.s32 s3, s9;
	s6 =	sadd.s32 @!p0 $0x88, s6;
	s7 =	simm.s32 @p2 $0x1082  }
0x22: {  	[simem:s7], [sflag:s8] =	dma.local @!p0 [hbm:s6], $0xF7A  }
0x23: {  	s9 =	sor.u32 $0xD0000000, s2;
	s6 =	simm.s32 $0x108;
	_ =	swait.ge @!p0 [sflag:s8], $0x0  }
0x24: {  	s3 =	sadd.s32 $0x88, s3;
	s6 =	simm.s32 @!p1 $0x1082;
	[sflag:s4] =	ssyncset.s32 $0xFFFFF086  }
0x25: {  	[simem:s6], [sflag:s4] =	dma.local [hbm:s3], $0xF7A  }
0x26: {  	[smem:$0x3F9F] =	sst s1;
	(tag) =	ssettag s2;
	_ =	strace s9  }
0x27: {  	s1 =	sld [smem:$0x3FAF]  }
0x28: {  	s2 =	sld [smem:$0x3FB0]  }
0x29: {  	s4 =	sld [smem:$0x3FB2]  }
0x2a: {  	p0 =	seq.s32 s5, $0x0;
	s5 =	sld [smem:$0x3FB3]  }
0x2b: {  	s6 =	sld [smem:$0x3FB4]  }
0x2c: {  	s7 =	sld [smem:$0x3FB5]  }
0x2d: {  	s3 =	simm.s32 $0x108;
	s8 =	sld [smem:$0x3FB6]  }
0x2e: {  	s3 =	simm.s32 @!p0 $0x1082;
	s9 =	sld [smem:$0x3FB7]  }
0x2f: {  	lr =	sadd.s32 s0, s3;
	s0 =	sld [smem:$0x3FAE]  }
0x30: {  	s3 =	sld [smem:$0x3FB1]  }
0x31: {  	[smem:$0x3FBA] =	sst s10  }
0x32: {  	s10 =	sld [smem:$0x3FB8];
	_ =	sdelay $0x3  }
0x33: {  	p0 =	seq.s32 s10, $0x1;
	s10 =	sld [smem:$0x3FBA];
	_ =	sdelay $0x3  }
0x34: {  	[smem:$0x3FBA] =	sst s10  }
0x35: {  	s10 =	sld [smem:$0x3FB9];
	_ =	sdelay $0x3  }
0x36: {  	p1 =	seq.s32 s10, $0x1;
	s10 =	sld [smem:$0x3FBA];
	_ =	sdelay $0x3  }
0x37: {  	[smem:$0x3FBA] =	sst s10  }
0x38: {  	s10 =	sld [smem:$0x3FBB]  }
0x39: {  	_ = 	snop;
	(pc) =	sbr.ind lr, $3  }
0x3a: {  	_ = 	snop  }
0x3b: {  	_ = 	snop  }
0x3c: {  	p2 =	seq.s32 s10, $0x1;
	s10 =	sld [smem:$0x3FBA]  }
0x3d: {  	_ =	shalt  }
0x3e: {  	_ =	shalt  }
0x3f: {  	_ =	shalt  }
0x40: {  	_ =	shalt  }
0x41: {  	_ =	shalt  }
0x42: {  	_ =	shalt  }
0x43: {  	_ =	shalt  }
0x44: {  	_ =	shalt  }
0x45: {  	_ =	shalt  }
0x46: {  	_ =	shalt  }
0x47: {  	_ =	shalt  }
0x48: {  	_ =	shalt  }
0x49: {  	_ =	shalt  }
0x4a: {  	_ =	shalt  }
0x4b: {  	_ =	shalt  }
0x4c: {  	_ =	shalt  }
0x4d: {  	_ =	shalt  }
0x4e: {  	_ =	shalt  }
0x4f: {  	_ =	shalt  }
0x50: {  	_ =	shalt  }
0x51: {  	_ =	shalt  }
0x52: {  	_ =	shalt  }
0x53: {  	_ =	shalt  }
0x54: {  	_ =	shalt  }
0x55: {  	_ =	shalt  }
0x56: {  	_ =	shalt  }
0x57: {  	_ =	shalt  }
0x58: {  	_ =	shalt  }
0x59: {  	_ =	shalt  }
0x5a: {  	_ =	shalt  }
0x5b: {  	_ =	shalt  }
0x5c: {  	_ =	shalt  }
0x5d: {  	_ =	shalt  }
0x5e: {  	_ =	shalt  }
0x5f: {  	_ =	shalt  }
0x60: {  	_ =	shalt  }
0x61: {  	_ =	shalt  }
0x62: {  	_ =	shalt  }
0x63: {  	_ =	shalt  }
0x64: {  	_ =	shalt  }
0x65: {  	_ =	shalt  }
0x66: {  	_ =	shalt  }
0x67: {  	_ =	shalt  }
0x68: {  	_ =	shalt  }
0x69: {  	_ =	shalt  }
0x6a: {  	_ =	shalt  }
0x6b: {  	_ =	shalt  }
0x6c: {  	_ =	shalt  }
0x6d: {  	_ =	shalt  }
0x6e: {  	_ =	shalt  }
0x6f: {  	_ =	shalt  }
0x70: {  	_ =	shalt  }
0x71: {  	_ =	shalt  }
0x72: {  	_ =	shalt  }
0x73: {  	_ =	shalt  }
0x74: {  	_ =	shalt  }
0x75: {  	_ =	shalt  }
0x76: {  	_ =	shalt  }
0x77: {  	_ =	shalt  }
0x78: {  	_ =	shalt  }
0x79: {  	_ =	shalt  }
0x7a: {  	_ =	shalt  }
0x7b: {  	_ =	shalt  }
0x7c: {  	_ =	shalt  }
0x7d: {  	_ =	shalt  }
0x7e: {  	_ =	shalt  }
0x7f: {  	_ =	shalt  }
0x80: {  	_ =	shalt  }
0x81: {  	_ =	shalt  }
0x82: {  	_ =	shalt  }
0x83: {  	_ =	shalt  }
0x84: {  	_ =	shalt  }
0x85: {  	_ =	shalt  }
0x86: {  	_ =	shalt  }
0x87: {  	_ =	shalt  }
.Lfunc_end0:
.L_simem_size_0:
called_computation_lowered:
.L_overlay_start_0:
0x88: {  	s2 =	sld [smem:$0x3FD9]  }
0x89: {  	s3 =	sld [smem:$0x3FFE];
	_ =	sdelay $0x1  }
0x8a: {  	s1 =	srdreg.scid  }
0x8b: {  	s0 =	sand.u32 $0x1, s1  }
0x8c: {  	s17 =	sshll.u32 s0, $0xA;
	s2 =	sadd.s32 s3, s2  }
0x8d: {  	s2 =	sadd.s32 s2, s17  }
0x8e: {  	[smem:$0x3FC6] =	sst s2  }
0x8f: {  	_ = 	snop  }
0x90: {  	s2 =	sld [smem:$0x3FC9]  }
0x91: {  	s18 =	sld [smem:$0x3FD0];
	(tm) =	ssettm $0x1  }
0x92: {  	s4 =	sld [smem:$0x3FFB];
	_ =	sdelay $0x3  }
0x93: {  	_ =	strace s4  }
0x94: {  	s4 =	sld [smem:$0x3FFC];
	_ =	sdelay $0x3  }
0x95: {  	_ =	strace s4  }
0x96: {  	s4 =	sld [smem:$0x3FFD];
	_ =	sdelay $0x3  }
0x97: {  	_ =	strace s4  }
0x98: {  	_ =	strace $0x8FFFFFFF  }
0x99: {  	s19 =	sld [smem:$0x3FDB];
	_ =	sdelay $0x1  }
0x9a: {  	s5 =	simm.s32 $_scs_section_size  }
0x9b: {  	s6 =	simm.s32 $_size__tile_overlayer_lowered;
	s7 =	simm.s32 $_tile_overlayer_lowered  }
0x9c: {  	s22 =	simm.s32 $0x1BFF;
	s21 =	sshll.u32 s7, $0x1;
	s4 =	sadd.s32 s5, s19  }
0x9d: {  	s8 =	simm.s32 $0x0;
	s20 =	sshll.u32 s6, $0x1;
	s6 =	sadd.s32 s21, s4  }
0x9e: {  	[timem:s8], [sflag:s22] =	dma.local [hbm:s6], s20  }
0x9f: {  	_ =	swait.ge [sflag:s22], s20  }
0xa0: {  	s5 =	ssub.s32 $0x0, s20;
	[sflag:s22] =	ssyncset.done $0x0  }
0xa1: {  	[sflag:s22] =	ssyncadd.s32 s5;
	_ =	sdelay $0x1  }
0xa2: {  	s23 =	simm.s32 $0x1B8B  }
0xa3: {  	_ =	swait.ge [sflag:s23], $0x1  }
0xa4: {  	[sflag:s23] =	ssyncset.done $0x0  }
0xa5: {  	s25 =	simm.s32 $0x1B8E;
	s24 =	sld [smem:$0x3FFE];
	[sflag:s23] =	ssyncadd.s32 $0xFFFFFFFF  }
0xa6: {  	s26 =	simm.s32 $execute0_lowered;
	[smem:$0x3FD2] =	sst s25  }
0xa7: {  	s6 =	sshll.u32 s26, $0x1;
	_ =	strace $0x80000046;
	[dreg:$0x1] =	wrdreg $0xFFFFFFFF  }
0xa8: {  	s28 =	simm.s32 $_size_execute0_lowered;
	s4 =	sadd.s32 s4, s6;
	[dreg:$0x0] =	wrdreg $0x0  }
0xa9: {  	s6 =	sshll.u32 s28, $0x1;
	[dreg:$0x2] =	wrdreg s4  }
0xaa: {  	[dreg:$0x3] =	wrdreg s6  }
0xab: {  	[dreg:$0x4] =	wrdreg $0xC0  }
0xac: {  	_ =	task [dreg:s8], $0x5FFFF  }
0xad: {  	[dreg:$0x1] =	wrdreg $0xFFFFFFFF  }
0xae: {  	[dreg:$0x0] =	wrdreg $0x60  }
0xaf: {  	[dreg:$0x2] =	wrdreg s2  }
0xb0: {  	[dreg:$0x3] =	wrdreg s24  }
0xb1: {  	[dreg:$0x4] =	wrdreg s18  }
0xb2: {  	[dreg:$0x5] =	wrdreg $0x1D8800  }
0xb3: {  	[dreg:$0x6] =	wrdreg $0x9  }
0xb4: {  	_ =	task.clear_ibuf [dreg:s8], $0x7FFFF;
	_ =	strace $0x90000046  }
0xb5: {  	s29 =	simm.s32 $0x9;
	_ =	strace $0x80000048  }
0xb6: {  	_ =	swait.ge [sflag:s29], $0x1  }
0xb7: {  	[sflag:s29] =	ssyncadd.s32 $0xFFFFFFFF  }
0xb8: {  	_ =	strace $0x90000048  }
0xb9: {  	_ =	sfence  }
0xba: {  	s30 =	sld [smem:$0x0];
	_ =	sdelay $0x2  }
0xbb: {  	s31 =	sshll.u32 s1, $0xD;
	s1 =	sshrl.u32 s1, $0x2  }
0xbc: {  	s3 =	sand.u32 $0x4000, s31;
	s1 =	sadd.s32 s1, s30  }
0xbd: {  	s0 =	sor.u32 s3, s0;
	s1 =	sshll.u32 s1, $0x11  }
0xbe: {  	s0 =	sor.u32 s1, s0  }
0xbf: {  	s0 =	sadd.s32 $0x8F2B, s0  }
0xc0: {  	[sflag:s0] =	ssyncadd.remote.s32 $0x1  }
0xc1: {  	_ =	sfence.sel $0xFFFF  }
0xc2: {  	[dreg:$0x0] =	wrdreg $0xFFFFFFFF;
	(pc) =	sbr.abs _section_cstart, $3  }
0xc3: {  	[dreg:$0x1] =	wrdreg $0xFFFFFFFF  }
0xc4: {  	_ =	task.clear_ibuf [dreg:s8], $0x2FFFF;
	_ =	strace $0x9FFFFFFF  }
0xc5: {  	(tm) =	ssettm $0x7FFFFFFF  }
tec
execute0_lowered:
.L_overlay_start_1:
0x0: {  	(tag) =	ssettag $0x1  }
0x1: {  	s0 =	rddreg [dreg:$0x0]  }
0x2: {  	s3 =	rddreg [dreg:$0x1]  }
0x3: {  	s4 =	rddreg [dreg:$0x2];
	s1 =	srdreg.scid  }
0x4: {  	s14 =	stileid.u32;
	s2 =	rddreg [dreg:$0x3]  }
0x5: {  	s5 =	simm.s32 $0x0;
	s28 =	simm.s32 $0x1D000;
	s29 =	simm.s32 $0x1D400  }
0x6: {  	s6 =	sand.u32 $0x1, s1;
	s19 =	sshll.u32 s14, $0x1;
	[smem:$0x7FF] =	sst s5  }
0x7: {  	s9 =	sadd.s32 $0xAE00, s3;
	s21 =	sadd.s32 $0x14E00, s3;
	s18 =	smul.u32 $0x5000, s14  }
0x8: {  	s22 =	sshll.u32 s14, $0xA;
	s1 =	sor.u32 s6, s19;
	s19 =	smul.u32 $0x280000, s14  }
0x9: {  	s30 =	sshll.u32 s14, $0xD;
	s16 =	sshll.u32 s14, $0x8;
	s20 =	smul.u32 $0x500, s1  }
0xa: {  	_ =	strace $0x80000047;
	[dreg:$0x5] =	wrdreg s21;
	s7 =	smul.u32 $0xFFFFFFB0, s1  }
0xb: {  	s10 =	ssub.s32 $0x2, s6;
	s21 =	sshll.u32 s6, $0xE;
	s12 =	smul.u32 $0x2800, s1  }
0xc: {  	s11 =	sshrl.u32 s10, $0x1;
	s13 =	smul.u32 $0x28000, s1;
	s17 =	sshll.u32 s1, $0x4  }
0xd: {  	p1 =	sne.s32 s1, $0x1F;
	s10 =	ssub.s32 s10, s11;
	s8 =	sadd.s32 s20, s3  }
0xe: {  	p0 =	slt.s32 s7, $0xFFFFF68C;
	s3 =	sadd.s32 s22, s3;
	s23 =	sshrl.u32 s12, $0x3  }
0xf: {  	s25 =	sadd.s32 $0xFFFFFFF0, s12;
	s31 =	sadd.s32 s0, s13;
	s13 =	sadd.s32 s30, s2  }
0x10: {  	s20 =	smul.u32 $0x2800, s6;
	s7 =	simm.s32 @!p0 $0xFFFFF68C;
	[dreg:$0xa] =	wrdreg s13  }
0x11: {  	s8 =	sadd.s32 $0xE00, s8;
	s24 =	sadd.s32 s9, s23;
	[dreg:$0x8] =	wrdreg s31  }
0x12: {  	s26 =	sshrl.u32 s25, $0x3;
	s15 =	sadd.s32 $0x1000, s31;
	[dreg:$0x6] =	wrdreg s8  }
0x13: {  	s3 =	sadd.s32 s21, s3;
	s23 =	smul.u32 $0x140000, s6;
	[dreg:$0x7] =	wrdreg s24  }
0x14: {  	s25 =	smax.u32 s10, $0x1;
	p0 =	sne.s32 s1, $0x0;
	[dreg:$0xb] =	wrdreg s15  }
0x15: {  	s1 =	simm.s32 $0x0;
	s9 =	sadd.s32 s9, s26;
	[dreg:$0x10] =	wrdreg s25  }
0x16: {  	s7 =	sadd.s32 $0x9C4, s7;
	s8 =	sadd.s32 $0x2000, s31;
	[dreg:$0x9] =	wrdreg s9  }
0x17: {  	s3 =	sadd.s32 $0x15200, s3;
	s26 =	sadd.s32 s20, s18;
	[dreg:$0xc] =	wrdreg s8  }
0x18: {  	v0 =	vimm.s32 $0xEDCBA987;
	s5 =	sshrl.u32 s7, $0x1;
	s9 =	sor.u32 s16, s17;
	[dreg:$0xe] =	wrdreg s3  }
0x19: {  	v1 =	vimm.s32 $0x65432100;
	v0 =	vunpack.c.l.s4.s8 v0;
	s14 =	sshll.u32 s7, $0x3;
	[dreg:$0x11] =	wrdreg s26;
	s30 =	sadd.s32 s23, s19  }
0x1a: {  	v1 =	vunpack.c.l.s4.s8 v1;
	s9 =	sand.u32 $0xC70, s9;
	s31 =	sor.u32 $0x20000, s30;
	s3 =	sor.u32 $0x18000, s30  }
0x1b: {  	v2 =	vunpack.c.0.s8.s32 v0;
	s22 =	sadd.s32 s4, s9;
	s4 =	sor.u32 $0x28000, s30;
	s6 =	sshrl.u32 s31, $0x3  }
0x1c: {  	v3 =	vunpack.c.0.s8.s32 v1;
	s3 =	sshrl.u32 s3, $0x3;
	[dreg:$0xd] =	wrdreg s22;
	s24 =	sadd.s32 $0x1000, s22  }
0x1d: {  	vm0 =	vmmov $0x1;
	v0 =	vimm.f32 $0.0e+00;
	v2 =	vand.u32 $0xF, v2;
	s4 =	sshrl.u32 s4, $0x3;
	s20 =	sadd.s32 s6, s0;
	s21 =	sadd.s32 s3, s0  }
0x1e: {  	v1 =	vimm.s32 $0xF;
	v2 =	vcombine.low v3, v2;
	v3 =	vlaneseq.u32;
	s22 =	simm.s32 $0x4;
	[dreg:$0xf] =	wrdreg s24;
	s9 =	sadd.s32 s4, s0  }
.LBB2_1:
0x1f: {  	s0 =	simm.s32 $0x0;
	s3 =	rddreg [dreg:$0x6]  }
0x20: {  	[tilespmem:s0], [sflag:$0x4] =	stream.linear.gather [hbm4b:s3+s0], $0x2800, $0x38;
	[tilespmem:$0x1F880] =	vst v63  }
0x21: {  	_ =	swait.ge [sflag:s22], $0x2800  }
0x22: {  	[sflag:s22] =	ssyncset.done $0x0  }
0x23: {  	s4 =	simm.s32 $0x2800;
	s31 =	rddreg [dreg:$0x7];
	[sflag:s22] =	ssyncadd.s32 $0xFFFFD800  }
0x24: {  	[tilespmem:s4], [sflag:$0x4] =	stream.linear.gather [hbm4b:s31+s0], $0x2800, $0x38;
	[tilespmem:$0x1F880] =	vst v63  }
0x25: {  	_ =	swait.ge [sflag:s22], $0x2800  }
0x26: {  	s3 =	simm.s32 @p0 $0x1D800;
	[sflag:s22] =	ssyncset.done $0x0  }
0x27: {  	s0 =	simm.s32 @p0 $0x0;
	s4 =	rddreg [dreg:$0x9];
	[sflag:s22] =	ssyncadd.s32 $0xFFFFD800  }
0x28: {  	[tilespmem:s3], [sflag:$0x4] =	stream.linear.gather @p0 [hbm4b:s4+s0], $0x10, $0x38;
	[tilespmem:$0x1F880] =	vst v63  }
0x29: {  	s0 =	simm.s32 @p0 $0x4  }
0x2a: {  	_ =	swait.ge @p0 [sflag:s0], $0x10  }
0x2b: {  	[sflag:s0] =	ssyncset.done @p0 $0x0  }
0x2c: {  	v4 =	vimm.s32 @!p0 $0xFFFFFFFF;
	[sflag:s0] =	ssyncadd.s32 @p0 $0xFFFFFFF0  }
0x2d: {  	s3 =	simm.s32 $0x0;
	s0 =	simm.s32 $0x40;
	[tilespmem:$0x1D800] =	vst @!p0 v4  }
.LBB2_2:
0x2e: {  	p2 =	sne.s32 s0, $0xFC0;
	[tilespmem:s3+$0x1D000] =	vst v0;
	s4 =	smov.u32 s0;
	s0 =	sadd.s32 $0x40, s0  }
.Ltmp0:
0x2f: {  	[tilespmem:s3+$0x1D400] =	vst v0;
	(pc) =	sbr.rel @p2 .LBB2_2-.Ltmp0, $2  }
0x30: {  	_ =	sdelay $0x2  }
0x31: {  	s3 =	sshra.s32 s4, $0x2  }
0x32: {  	s0 =	stileid.u32  }
0x33: {  	[tilespmem:s3+$0x1D000] =	vst v0;
	s16 =	rddreg [dreg:$0xa];
	s0 =	sshll.u32 s0, $0x6  }
0x34: {  	[tilespmem:s3+$0x1D400] =	vst v0;
	s17 =	rddreg [dreg:$0x5];
	s24 =	sshrl.u32 s16, $0x3;
	s23 =	sor.u32 $0x1C04, s0  }
0x35: {  	[spmem:s24], [sflag:s23] =	dma.local [hbm:s17], $0x400  }
0x36: {  	_ =	swait.ge [sflag:s22], $0x400  }
0x37: {  	s18 =	simm.s32 $0x0;
	[sflag:s22] =	ssyncset.done $0x0  }
0x38: {  	s4 =	simm.s32 $0x5000;
	s19 =	rddreg [dreg:$0x8];
	[sflag:s22] =	ssyncadd.s32 $0xFFFFFC00  }
0x39: {  	[tilespmem:s4], [sflag:$0x1] =	stream.linear.gather [hbm4b:s19+s18], $0x8000, $0x38;
	[tilespmem:$0x1F880] =	vst v63  }
0x3a: {  	s26 =	simm.s32 $0xD000;
	s25 =	rddreg [dreg:$0xb]  }
0x3b: {  	[tilespmem:s26], [sflag:$0x2] =	stream.linear.gather [hbm4b:s25+s18], $0x8000, $0x38;
	[tilespmem:$0x1F880] =	vst v63  }
0x3c: {  	s31 =	simm.s32 $0x15000;
	s30 =	rddreg [dreg:$0xc]  }
0x3d: {  	[tilespmem:s31], [sflag:$0x3] =	stream.linear.gather [hbm4b:s30+s18], $0x8000, $0x38;
	[tilespmem:$0x1F880] =	vst v63  }
0x3e: {  	s0 =	simm.s32 $0x2800;
	v4 =	vld [tilespmem:$0x1D800]  }
0x3f: {  	v7 =	vld [tilespmem:s0+$0x0];
	_ =	sdelay $0x4  }
0x40: {  	v4 =	vperm.xlane v4, v1;
	v5 =	vperm.xlane v7, v2;
	_ =	sdelay $0x1  }
0x41: {  	v5 =	vsel vm0, v4, v5  }
0x42: {  	vm2 =	vne.s32 v7, v5;
	vm1 =	vgt.s32 v5, $0xFFFFFFFF  }
0x43: {  	p2 =	sgt.u32 s14, $0x1;
	vm1 =	vmand vm2, vm1  }
.Ltmp1:
0x44: {  	s4 =	rddreg [dreg:$0x11];
	(pc) =	sbr.rel @!p2 .LBB2_5-.Ltmp1, $4  }
0x45: {  	v4 =	vor.u32 s4, v3  }
0x46: {  	v6 =	vcvt.s32.f32 v4  }
0x47: {  	v4 =	vperm.xlane v7, v1  }
0x48: {  	s3 =	simm.s32 $0x1;
	[tilespmem:v7+s28+$0x0] =	vst.idx.msk vm2, v6  }
.LBB2_4:
0x49: {  	s3 =	sadd.s32 $0x1, s3;
	[tilespmem:v5+s29+$0x0] =	vst.idx.msk vm1, v6;
	s0 =	sadd.s32 $0x10, s0;
	s4 =	sadd.s32 $0x10, s4;
	v5 =	vmov v4  }
0x4a: {  	v7 =	vld [tilespmem:s0+$0x0];
	p2 =	slt.u32 s3, s14;
	_ =	sdelay $0x4  }
0x4b: {  	v6 =	vperm.xlane v7, v2;
	v4 =	vperm.xlane v7, v1;
	_ =	sdelay $0x1  }
0x4c: {  	v5 =	vsel vm0, v5, v6  }
0x4d: {  	vm2 =	vne.s32 v7, v5;
	vm1 =	vgt.s32 v5, $0xFFFFFFFF  }
0x4e: {  	vm1 =	vmand vm2, vm1  }
.Ltmp2:
0x4f: {  	(pc) =	sbr.rel @p2 .LBB2_4-.Ltmp2, $3  }
0x50: {  	v6 =	vor.u32 s4, v3  }
0x51: {  	v6 =	vcvt.s32.f32 v6;
	_ =	sdelay $0x1  }
0x52: {  	[tilespmem:v7+s28+$0x0] =	vst.idx.msk vm2, v6  }
.LBB2_5:
0x53: {  	_ =	sdelay $0x4  }
0x54: {  	[tilespmem:v5+s29+$0x0] =	vst.idx.msk vm1, v6;
	v5 =	vimm.f32 @!p1 $3.200000000e+05;
	s0 =	simm.s32 @!p1 $0x1D400  }
0x55: {  	p3 =	sle.u32 s5, $0x0;
	[tilespmem:v4+s0+$0x0] =	vst.idx.msk @!p1 $0x1, v5  }
0x56: {  	s0 =	simm.s32 @!p3 $0x1;
	[bflag:$0x0] =	sbarrier.arrive $0xFFFF  }
0x57: {  	_ =	swait.ge @!p3 [sflag:s0], $0x8000  }
0x58: {  	s3 =	simm.s32 @!p3 $0x0;
	s4 =	simm.s32 @!p3 $0x80;
	[sflag:s0] =	ssyncset.done @!p3 $0x0  }
0x59: {  	s6 =	simm.s32 @!p3 $0x5000;
	s7 =	simm.s32 @!p3 $0x4;
	[sflag:s0] =	ssyncadd.s32 @!p3 $0xFFFF8000  }
0x5a: {  	[spmem:s2] =	stream.indirect.scatter.add.f32 @!p3 [tilespmem:s6], [sflag:$0x4], $0x80, s3, s4, $0xb8;
	[tilespmem:$0x1F880] =	vst v63  }
0x5b: {  	_ =	swait.ge @!p3 [sflag:s7], $0x4000  }
0x5c: {  	[sflag:s7] =	ssyncset.done @!p3 $0x0  }
0x5d: {  	s0 =	simm.s32 @!p3 $0x80;
	s3 =	simm.s32 @!p3 $0x9000;
	[sflag:s7] =	ssyncadd.s32 @!p3 $0xFFFFC000  }
0x5e: {  	[spmem:s2] =	stream.indirect.scatter.add.f32 @!p3 [tilespmem:s3], [sflag:$0x4], $0x80, s0, s4, $0xb8;
	[tilespmem:$0x1F880] =	vst v63  }
0x5f: {  	p2 =	sle.u32 s5, $0x1;
	_ =	swait.ge @!p3 [sflag:s7], $0x4000  }
0x60: {  	p4 =	sle.u32 s5, $0x3;
	s0 =	simm.s32 @!p2 $0x2;
	[sflag:s7] =	ssyncset.done @!p3 $0x0  }
0x61: {  	s3 =	simm.s32 @!p4 $0x0;
	s4 =	simm.s32 @!p4 $0x5000;
	[sflag:s7] =	ssyncadd.s32 @!p3 $0xFFFFC000  }
0x62: {  	[tilespmem:s4], [sflag:$0x1] =	stream.linear.gather @!p4 [hbm4b:s21+s3], $0x8000, $0x38;
	[tilespmem:$0x1F880] =	vst v63  }
0x63: {  	s25 =	simm.s32 $0x8;
	s26 =	sadd.s32 $0x3000, s9;
	_ =	swait.ge @!p2 [sflag:s0], $0x8000  }
0x64: {  	s11 =	simm.s32 @!p2 $0x4;
	s10 =	simm.s32 @!p2 $0x80;
	[sflag:s0] =	ssyncset.done @!p2 $0x0  }
0x65: {  	s3 =	simm.s32 @!p2 $0xD000;
	s4 =	simm.s32 @!p2 $0x100;
	[sflag:s0] =	ssyncadd.s32 @!p2 $0xFFFF8000  }
0x66: {  	[spmem:s2] =	stream.indirect.scatter.add.f32 @!p2 [tilespmem:s3], [sflag:$0x4], $0x80, s4, s10, $0xb8;
	[tilespmem:$0x1F880] =	vst v63  }
0x67: {  	s19 =	smov.u32 s9;
	s6 =	simm.s32 $0x280;
	_ =	swait.ge @!p2 [sflag:s11], $0x4000  }
0x68: {  	s7 =	simm.s32 $0x5;
	p4 =	sle.u32 s5, $0x2;
	[sflag:s11] =	ssyncset.done @!p2 $0x0  }
0x69: {  	s0 =	simm.s32 @!p2 $0x180;
	s3 =	simm.s32 @!p2 $0x11000;
	[sflag:s11] =	ssyncadd.s32 @!p2 $0xFFFFC000  }
0x6a: {  	[spmem:s2] =	stream.indirect.scatter.add.f32 @!p2 [tilespmem:s3], [sflag:$0x4], $0x80, s0, s10, $0xb8;
	[tilespmem:$0x1F880] =	vst v63  }
0x6b: {  	p3 =	sle.u32 s5, $0x4;
	s12 =	simm.s32 @!p4 $0x3;
	_ =	swait.ge @!p2 [sflag:s11], $0x4000  }
0x6c: {  	s4 =	sadd.s32 $0x3000, s21;
	s10 =	simm.s32 $0xB;
	[sflag:s11] =	ssyncset.done @!p2 $0x0  }
0x6d: {  	s0 =	simm.s32 @!p3 $0x0;
	s3 =	simm.s32 @!p3 $0xD000;
	[sflag:s11] =	ssyncadd.s32 @!p2 $0xFFFFC000  }
0x6e: {  	[tilespmem:s3], [sflag:$0x2] =	stream.linear.gather @!p3 [hbm4b:s20+s0], $0x8000, $0x38;
	[tilespmem:$0x1F880] =	vst v63  }
0x6f: {  	p2 =	sle.u32 s5, $0x3;
	s0 =	simm.s32 $0x580;
	s3 =	sadd.s32 $0x3000, s20  }
.LBB2_6:
0x70: {  	_ =	swait.ge @!p4 [sflag:s12], $0x8000;
	s15 =	simm.s32 @!p4 $0x80;
	s11 =	simm.s32 @!p4 $0x15000  }
0x71: {  	s16 =	simm.s32 @!p2 $0x1;
	s17 =	simm.s32 @!p4 $0x4;
	[sflag:s12] =	ssyncset.done @!p4 $0x0  }
0x72: {  	s8 =	simm.s32 @!p4 $0x19000;
	[sflag:s12] =	ssyncadd.s32 @!p4 $0xFFFF8000;
	s12 =	sadd.s32 @!p4 $0xFFFFFF80, s6  }
0x73: {  	[spmem:s2] =	stream.indirect.scatter.add.f32 @!p4 [tilespmem:s11], [sflag:$0x4], $0x80, s12, s15, $0xb8;
	[tilespmem:$0x1F880] =	vst v63  }
0x74: {  	s12 =	smov.u32 s10;
	s10 =	sadd.s32 $0x3, s10;
	_ =	swait.ge @!p4 [sflag:s17], $0x4000  }
0x75: {  	s13 =	sadd.s32 @!p2 $0xFFFFFD80, s0;
	s30 =	simm.s32 @!p2 $0x80;
	[sflag:s17] =	ssyncset.done @!p4 $0x0  }
0x76: {  	s11 =	smov.u32 s3;
	p3 =	sne.s32 s10, $0x2F;
	[sflag:s17] =	ssyncadd.s32 @!p4 $0xFFFFC000  }
0x77: {  	[spmem:s2] =	stream.indirect.scatter.add.f32 @!p4 [tilespmem:s8], [sflag:$0x4], $0x80, s6, s15, $0xb8;
	[tilespmem:$0x1F880] =	vst v63  }
0x78: {  	s6 =	smov.u32 s0;
	_ =	swait.ge @!p4 [sflag:s17], $0x4000  }
0x79: {  	p5 =	sge.u32 s7, s5;
	s8 =	sadd.s32 $0xFFFFFFFE, s25;
	[sflag:s17] =	ssyncset.done @!p4 $0x0  }
0x7a: {  	s31 =	simm.s32 @!p2 $0x4;
	s18 =	simm.s32 @!p5 $0x15000;
	s15 =	simm.s32 @!p2 $0x5000  }
0x7b: {  	s7 =	smov.u32 s25;
	[sflag:s17] =	ssyncadd.s32 @!p4 $0xFFFFC000;
	s17 =	simm.s32 @!p5 $0x0  }
0x7c: {  	[tilespmem:s18], [sflag:$0x3] =	stream.linear.gather @!p5 [hbm4b:s19+s17], $0x8000, $0x38;
	[tilespmem:$0x1F880] =	vst v63  }
0x7d: {  	s25 =	smov.u32 s12;
	s19 =	smov.u32 s26;
	_ =	swait.ge @!p2 [sflag:s16], $0x8000  }
0x7e: {  	s12 =	sadd.s32 @!p2 $0xFFFFFE00, s0;
	s17 =	simm.s32 @!p2 $0x9000;
	[sflag:s16] =	ssyncset.done @!p2 $0x0  }
0x7f: {  	[sflag:s16] =	ssyncadd.s32 @!p2 $0xFFFF8000  }
0x80: {  	[spmem:s2] =	stream.indirect.scatter.add.f32 @!p2 [tilespmem:s15], [sflag:$0x4], $0x80, s13, s30, $0xb8;
	[tilespmem:$0x1F880] =	vst v63  }
0x81: {  	s13 =	sadd.s32 $0xFFFFFFFC, s7;
	_ =	swait.ge @!p2 [sflag:s31], $0x4000  }
0x82: {  	p5 =	sge.u32 s13, s5;
	[sflag:s31] =	ssyncset.done @!p2 $0x0  }
0x83: {  	[sflag:s31] =	ssyncadd.s32 @!p2 $0xFFFFC000  }
0x84: {  	[spmem:s2] =	stream.indirect.scatter.add.f32 @!p2 [tilespmem:s17], [sflag:$0x4], $0x80, s12, s30, $0xb8;
	[tilespmem:$0x1F880] =	vst v63  }
0x85: {  	p4 =	sge.u32 s8, s5;
	s8 =	simm.s32 @!p5 $0x2;
	_ =	swait.ge @!p2 [sflag:s31], $0x4000  }
0x86: {  	s13 =	simm.s32 @!p5 $0x4;
	s12 =	simm.s32 @!p5 $0xD000;
	[sflag:s31] =	ssyncset.done @!p2 $0x0  }
0x87: {  	s16 =	simm.s32 @!p4 $0x5000;
	s15 =	simm.s32 @!p4 $0x0;
	[sflag:s31] =	ssyncadd.s32 @!p2 $0xFFFFC000  }
0x88: {  	[tilespmem:s16], [sflag:$0x1] =	stream.linear.gather @!p4 [hbm4b:s4+s15], $0x8000, $0x38;
	[tilespmem:$0x1F880] =	vst v63  }
0x89: {  	s4 =	sadd.s32 $0x3000, s4;
	_ =	swait.ge @!p5 [sflag:s8], $0x8000  }
0x8a: {  	s15 =	sadd.s32 @!p5 $0xFFFFFE80, s0;
	s16 =	simm.s32 @!p5 $0x80;
	[sflag:s8] =	ssyncset.done @!p5 $0x0  }
0x8b: {  	s3 =	sadd.s32 $0x3000, s3;
	s0 =	sadd.s32 $0x300, s0;
	[sflag:s8] =	ssyncadd.s32 @!p5 $0xFFFF8000  }
0x8c: {  	[spmem:s2] =	stream.indirect.scatter.add.f32 @!p5 [tilespmem:s12], [sflag:$0x4], $0x80, s15, s16, $0xb8;
	[tilespmem:$0x1F880] =	vst v63  }
0x8d: {  	s26 =	sadd.s32 $0x3000, s26;
	s8 =	sadd.s32 $0xFFFFFFFF, s7;
	_ =	swait.ge @!p5 [sflag:s13], $0x4000  }
0x8e: {  	p6 =	sge.u32 s8, s5;
	s8 =	sadd.s32 $0xFFFFFFFD, s7;
	[sflag:s13] =	ssyncset.done @!p5 $0x0  }
0x8f: {  	s12 =	sadd.s32 @!p5 $0xFFFFFF00, s6;
	s15 =	simm.s32 @!p5 $0x11000;
	[sflag:s13] =	ssyncadd.s32 @!p5 $0xFFFFC000  }
0x90: {  	[spmem:s2] =	stream.indirect.scatter.add.f32 @!p5 [tilespmem:s15], [sflag:$0x4], $0x80, s12, s16, $0xb8;
	[tilespmem:$0x1F880] =	vst v63  }
.Ltmp3:
0x91: {  	_ = 	snop;
	(pc) =	sbr.rel @p3 .LBB2_6-.Ltmp3, $4  }
0x92: {  	s15 =	simm.s32 @!p6 $0x0;
	s16 =	simm.s32 @!p6 $0xD000;
	_ =	swait.ge @!p5 [sflag:s13], $0x4000  }
0x93: {  	p4 =	sge.u32 s8, s5;
	s12 =	sadd.s32 $0xFFFFFFFB, s25;
	[sflag:s13] =	ssyncset.done @!p5 $0x0  }
0x94: {  	p2 =	sge.u32 s12, s5;
	s12 =	simm.s32 @!p4 $0x3;
	[sflag:s13] =	ssyncadd.s32 @!p5 $0xFFFFC000  }
0x95: {  	[tilespmem:s16], [sflag:$0x2] =	stream.linear.gather @!p6 [hbm4b:s11+s15], $0x8000, $0x38;
	[tilespmem:$0x1F880] =	vst v63  }
0x96: {  	_ =	swait.ge @!p4 [sflag:s12], $0x8000  }
0x97: {  	s8 =	simm.s32 @!p4 $0x80;
	[sflag:s12] =	ssyncset.done @!p4 $0x0  }
0x98: {  	s10 =	simm.s32 @!p4 $0x15000;
	s11 =	sadd.s32 @!p4 $0xFFFFFF80, s6;
	[sflag:s12] =	ssyncadd.s32 @!p4 $0xFFFF8000  }
0x99: {  	[spmem:s2] =	stream.indirect.scatter.add.f32 @!p4 [tilespmem:s10], [sflag:$0x4], $0x80, s11, s8, $0xb8;
	[tilespmem:$0x1F880] =	vst v63  }
0x9a: {  	s10 =	simm.s32 @!p4 $0x4  }
0x9b: {  	_ =	swait.ge @!p4 [sflag:s10], $0x4000  }
0x9c: {  	[sflag:s10] =	ssyncset.done @!p4 $0x0  }
0x9d: {  	s11 =	simm.s32 @!p4 $0x19000;
	[sflag:s10] =	ssyncadd.s32 @!p4 $0xFFFFC000  }
0x9e: {  	[spmem:s2] =	stream.indirect.scatter.add.f32 @!p4 [tilespmem:s11], [sflag:$0x4], $0x80, s6, s8, $0xb8;
	[tilespmem:$0x1F880] =	vst v63  }
0x9f: {  	p3 =	sge.u32 s7, s5;
	_ =	swait.ge @!p4 [sflag:s10], $0x4000  }
0xa0: {  	s7 =	simm.s32 @!p3 $0x15000;
	[sflag:s10] =	ssyncset.done @!p4 $0x0  }
0xa1: {  	s6 =	simm.s32 @!p2 $0x1;
	s8 =	simm.s32 @!p3 $0x0;
	[sflag:s10] =	ssyncadd.s32 @!p4 $0xFFFFC000  }
0xa2: {  	[tilespmem:s7], [sflag:$0x3] =	stream.linear.gather @!p3 [hbm4b:s19+s8], $0x8000, $0x38;
	[tilespmem:$0x1F880] =	vst v63  }
0xa3: {  	_ =	swait.ge @!p2 [sflag:s6], $0x8000  }
0xa4: {  	s10 =	simm.s32 @!p2 $0x5000;
	s7 =	sadd.s32 @!p2 $0xFFFFFD80, s0;
	[sflag:s6] =	ssyncset.done @!p2 $0x0  }
0xa5: {  	s8 =	simm.s32 @!p2 $0x80;
	[sflag:s6] =	ssyncadd.s32 @!p2 $0xFFFF8000;
	s6 =	simm.s32 @!p2 $0x4  }
0xa6: {  	[spmem:s2] =	stream.indirect.scatter.add.f32 @!p2 [tilespmem:s10], [sflag:$0x4], $0x80, s7, s8, $0xb8;
	[tilespmem:$0x1F880] =	vst v63  }
0xa7: {  	_ =	swait.ge @!p2 [sflag:s6], $0x4000  }
0xa8: {  	s15 =	sadd.s32 $0xFFFFFFFC, s25;
	[sflag:s6] =	ssyncset.done @!p2 $0x0  }
0xa9: {  	s7 =	sadd.s32 @!p2 $0xFFFFFE00, s0;
	s10 =	simm.s32 @!p2 $0x9000;
	[sflag:s6] =	ssyncadd.s32 @!p2 $0xFFFFC000  }
0xaa: {  	[spmem:s2] =	stream.indirect.scatter.add.f32 @!p2 [tilespmem:s10], [sflag:$0x4], $0x80, s7, s8, $0xb8;
	[tilespmem:$0x1F880] =	vst v63  }
0xab: {  	s16 =	sadd.s32 $0xFFFFFFFE, s25;
	p3 =	sge.u32 s15, s5;
	_ =	swait.ge @!p2 [sflag:s6], $0x4000  }
0xac: {  	p4 =	sge.u32 s16, s5;
	s7 =	simm.s32 @!p3 $0x2;
	[sflag:s6] =	ssyncset.done @!p2 $0x0  }
0xad: {  	s8 =	simm.s32 @!p4 $0x5000;
	[sflag:s6] =	ssyncadd.s32 @!p2 $0xFFFFC000;
	s6 =	simm.s32 @!p4 $0x0  }
0xae: {  	[tilespmem:s8], [sflag:$0x1] =	stream.linear.gather @!p4 [hbm4b:s4+s6], $0x8000, $0x38;
	[tilespmem:$0x1F880] =	vst v63  }
0xaf: {  	_ =	swait.ge @!p3 [sflag:s7], $0x8000  }
0xb0: {  	s4 =	simm.s32 @!p3 $0xD000;
	s6 =	simm.s32 @!p3 $0x4;
	[sflag:s7] =	ssyncset.done @!p3 $0x0  }
0xb1: {  	s8 =	sadd.s32 @!p3 $0xFFFFFE80, s0;
	[sflag:s7] =	ssyncadd.s32 @!p3 $0xFFFF8000;
	s7 =	simm.s32 @!p3 $0x80  }
0xb2: {  	[spmem:s2] =	stream.indirect.scatter.add.f32 @!p3 [tilespmem:s4], [sflag:$0x4], $0x80, s8, s7, $0xb8;
	[tilespmem:$0x1F880] =	vst v63  }
0xb3: {  	_ =	swait.ge @!p3 [sflag:s6], $0x4000  }
0xb4: {  	[sflag:s6] =	ssyncset.done @!p3 $0x0  }
0xb5: {  	s4 =	sadd.s32 @!p3 $0xFFFFFF00, s0;
	s8 =	simm.s32 @!p3 $0x11000;
	[sflag:s6] =	ssyncadd.s32 @!p3 $0xFFFFC000  }
0xb6: {  	[spmem:s2] =	stream.indirect.scatter.add.f32 @!p3 [tilespmem:s8], [sflag:$0x4], $0x80, s4, s7, $0xb8;
	[tilespmem:$0x1F880] =	vst v63  }
0xb7: {  	s17 =	sadd.s32 $0xFFFFFFFF, s25;
	s18 =	sadd.s32 $0xFFFFFFFD, s25;
	_ =	swait.ge @!p3 [sflag:s6], $0x4000  }
0xb8: {  	p2 =	sge.u32 s18, s5;
	p4 =	sge.u32 s17, s5;
	[sflag:s6] =	ssyncset.done @!p3 $0x0  }
0xb9: {  	s4 =	simm.s32 @!p4 $0x0;
	[sflag:s6] =	ssyncadd.s32 @!p3 $0xFFFFC000;
	s6 =	simm.s32 @!p4 $0xD000  }
0xba: {  	[tilespmem:s6], [sflag:$0x2] =	stream.linear.gather @!p4 [hbm4b:s3+s4], $0x8000, $0x38;
	[tilespmem:$0x1F880] =	vst v63  }
0xbb: {  	s3 =	simm.s32 @!p2 $0x3  }
0xbc: {  	_ =	swait.ge @!p2 [sflag:s3], $0x8000  }
0xbd: {  	s4 =	simm.s32 @!p2 $0x80;
	[sflag:s3] =	ssyncset.done @!p2 $0x0  }
0xbe: {  	s6 =	simm.s32 @!p2 $0x15000;
	[sflag:s3] =	ssyncadd.s32 @!p2 $0xFFFF8000;
	s3 =	sadd.s32 @!p2 $0xFFFFFF80, s0  }
0xbf: {  	[spmem:s2] =	stream.indirect.scatter.add.f32 @!p2 [tilespmem:s6], [sflag:$0x4], $0x80, s3, s4, $0xb8;
	[tilespmem:$0x1F880] =	vst v63  }
0xc0: {  	s3 =	simm.s32 @!p2 $0x4  }
0xc1: {  	_ =	swait.ge @!p2 [sflag:s3], $0x4000  }
0xc2: {  	[sflag:s3] =	ssyncset.done @!p2 $0x0  }
0xc3: {  	s6 =	simm.s32 @!p2 $0x19000;
	[sflag:s3] =	ssyncadd.s32 @!p2 $0xFFFFC000  }
0xc4: {  	[spmem:s2] =	stream.indirect.scatter.add.f32 @!p2 [tilespmem:s6], [sflag:$0x4], $0x80, s0, s4, $0xb8;
	[tilespmem:$0x1F880] =	vst v63  }
0xc5: {  	_ =	swait.ge @!p2 [sflag:s3], $0x4000  }
0xc6: {  	p3 =	sge.u32 s25, s5;
	[sflag:s3] =	ssyncset.done @!p2 $0x0  }
0xc7: {  	s0 =	simm.s32 @!p3 $0x15000;
	[sflag:s3] =	ssyncadd.s32 @!p2 $0xFFFFC000;
	s3 =	simm.s32 @!p3 $0x0  }
0xc8: {  	[tilespmem:s0], [sflag:$0x3] =	stream.linear.gather @!p3 [hbm4b:s26+s3], $0x8000, $0x38;
	[tilespmem:$0x1F880] =	vst v63  }
0xc9: {  	[bflag:$0x0] =	sbarrier.arrive $0xFFFF  }
0xca: {  	s19 =	rddreg [dreg:$0xe]  }
0xcb: {  	[hbm:s19], [sflag:s23] =	dma.local [spmem:s24], $0x400  }
0xcc: {  	_ =	swait.ge [sflag:s22], $0x400  }
0xcd: {  	s25 =	simm.s32 $0x80;
	[sflag:s22] =	ssyncset.done $0x0  }
0xce: {  	s26 =	simm.s32 $0x400;
	s24 =	rddreg [dreg:$0xd];
	[sflag:s22] =	ssyncadd.s32 $0xFFFFFC00  }
0xcf: {  	[hbm4b:s24+s25] =	stream.strided.scatter [tilespmem:s28], [sflag:$0x4], $0x400, s26, s25, $0x38;
	[tilespmem:$0x1F880] =	vst v63  }
0xd0: {  	_ =	swait.ge [sflag:s22], $0x400  }
0xd1: {  	[sflag:s22] =	ssyncset.done $0x0  }
0xd2: {  	s30 =	rddreg [dreg:$0xf];
	[sflag:s22] =	ssyncadd.s32 $0xFFFFFC00  }
0xd3: {  	[hbm4b:s30+s25] =	stream.strided.scatter [tilespmem:s29], [sflag:$0x4], $0x400, s26, s25, $0x38;
	[tilespmem:$0x1F880] =	vst v63  }
0xd4: {  	_ =	swait.ge [sflag:s22], $0x400  }
0xd5: {  	s1 =	sadd.s32 $0x1, s1;
	s31 =	rddreg [dreg:$0x10]  }
0xd6: {  	p2 =	sne.s32 s1, s31  }
.Ltmp4:
0xd7: {  	_ = 	snop;
	(pc) =	sbr.rel @p2 .LBB2_1-.Ltmp4, $3  }
0xd8: {  	_ =	sdelay $0x1  }
0xd9: {  	[sflag:s22] =	ssyncset.done $0x0  }
0xda: {  	[sflag:s22] =	ssyncadd.s32 $0xFFFFFC00  }
0xdb: {  	_ =	sfence.sel $0x180000  }
0xdc: {  	[bflag:$0x0] =	sbarrier.arrive $0xFFFF  }
0xdd: {  	_ =	strace $0x90000047  }
0xde: {  	s0 =	stileid.u32;
	[bflag:$0x2] =	sbarrier.arrive $0xFFFF  }
0xdf: {  	p0 =	sne.s32 s0, $0x0;
	s0 =	rddreg [dreg:$0x4]  }
0xe0: {  	s0 =	sadd.s32 @!p0 $0x100000, s0  }
0xe1: {  	[sflag:s0] =	ssyncadd.tile.s32 @!p0 $0x1;
	_ =	shalt  }
.Lfunc_end2:
_tile_overlayer_lowered:
.L_overlay_start_2:
0xe2: {  	(tag) =	ssettag $0x2  }
0xe3: {  	s0 =	rddreg [dreg:$0x0];
	s2 =	stileid.u32  }
0xe4: {  	s1 =	rddreg [dreg:$0x1];
	p0 =	sne.s32 s2, $0x0  }
0xe5: {  	s3 =	rddreg [dreg:$0x2];
	[bflag:$0x3] =	sbarrier.arrive $0xFFFF;
	s2 =	simm.s32 @!p0 $0x1C04  }
0xe6: {  	[timem:s3], [sflag:s2] =	dma.local @!p0 [hbm:s0], s1  }
0xe7: {  	s0 =	simm.s32 @!p0 $0x4  }
0xe8: {  	_ =	swait.ge @!p0 [sflag:s0], s1  }
0xe9: {  	s1 =	ssub.s32 @!p0 $0x0, s1;
	[sflag:s0] =	ssyncset.done @!p0 $0x0  }
0xea: {  	[sflag:s0] =	ssyncadd.s32 @!p0 s1  }
0xeb: {  	[bflag:$0x3] =	sbarrier.arrive $0xFFFF  }
0xec: {  	_ =	shalt  }

</sc_bundles>
